<compile_context>
chip_gen: v7x
topology: tpu7x:2x2x1
jax: 0.10.2.dev20260603
libtpu: 0.0.44.dev20260713+nightly
codegen_flags: <defaults>
</compile_context>

<pallas_src>
import dataclasses
import functools

import jax
import jax.numpy as jnp
from jax import lax
from jax.experimental import pallas as pl
from jax.experimental.pallas import tpu as pltpu
from jax.experimental.pallas import tpu_sc as plsc

NCORE = 2
NSUB = 16
NW = NCORE * NSUB
CHUNK = 128


def _sc_compiler_params():
    cp = pltpu.CompilerParams()
    if "needs_layout_passes" in pltpu.CompilerParams.__dataclass_fields__:
        cp = dataclasses.replace(cp, needs_layout_passes=False)
    return cp


def _vector_mesh():
    return plsc.VectorSubcoreMesh(
        core_axis_name="c", subcore_axis_name="s",
        num_cores=NCORE, num_subcores=NSUB)


def _zero_fill(buf, nrows, ncols):
    z16 = jnp.zeros((16,), jnp.float32)

    @pl.loop(0, nrows)
    def _(i):
        for c in range(ncols // 16):
            buf[i, pl.ds(c * 16, 16)] = z16


def _sc_degree(col3, n_pad):
    t_steps = col3.shape[1]

    @functools.partial(
        pl.kernel,
        out_type=jax.ShapeDtypeStruct((NW, n_pad), jnp.float32),
        mesh=_vector_mesh(),
        scratch_types=[
            pltpu.VMEM((t_steps, CHUNK), jnp.int32),
            pltpu.VMEM((n_pad,), jnp.float32),
        ],
        compiler_params=_sc_compiler_params(),
    )
    def deg_kernel(col_hbm, out_hbm, idx_v, hist):
        cid = lax.axis_index("c")
        sid = lax.axis_index("s")
        wid = sid * NCORE + cid

        z16 = jnp.zeros((16,), jnp.float32)
        one16 = jnp.full((16,), 1.0, jnp.float32)

        @pl.loop(0, n_pad // 16)
        def _(i):
            hist[pl.ds(i * 16, 16)] = z16

        pltpu.sync_copy(col_hbm.at[wid], idx_v)

        @pl.loop(0, t_steps)
        def _(t):
            for j in range(CHUNK // 16):
                idx16 = idx_v[t, pl.ds(j * 16, 16)]
                plsc.addupdate_scatter(hist, [idx16], one16)

        pltpu.sync_copy(hist, out_hbm.at[wid])

    return deg_kernel(col3)


def _sc_aggregate(table, row3, col3):
    n_pad = table.shape[0]
    t_steps = row3.shape[1]
    rows_per_sub = n_pad // NSUB

    @functools.partial(
        pl.kernel,
        out_type=jax.ShapeDtypeStruct((NCORE, n_pad, 128), jnp.float32),
        mesh=_vector_mesh(),
        scratch_types=[
            pltpu.VMEM((t_steps, CHUNK), jnp.int32),
            pltpu.VMEM((t_steps, CHUNK), jnp.int32),
            pltpu.VMEM((CHUNK, 128), jnp.float32),
            pltpu.VMEM_SHARED((n_pad, 128), jnp.float32),
            pltpu.SemaphoreType.DMA,
        ],
    )
    def agg_kernel(tab_hbm, row_hbm, col_hbm, out_hbm,
                   ridx_v, cidx_v, rows_v, acc, sem):
        cid = lax.axis_index("c")
        sid = lax.axis_index("s")
        wid = sid * NCORE + cid

        _zero_fill(rows_v, CHUNK, 128)
        pltpu.sync_copy(row_hbm.at[wid], ridx_v)
        pltpu.sync_copy(col_hbm.at[wid], cidx_v)

        for j in range(rows_per_sub // CHUNK):
            pltpu.sync_copy(rows_v, acc.at[pl.ds(sid * rows_per_sub + j * CHUNK, CHUNK)])
        plsc.subcore_barrier()

        @pl.loop(0, t_steps)
        def _(t):
            pltpu.async_copy(tab_hbm.at[ridx_v.at[t]], rows_v, sem).wait()
            pltpu.sync_copy(rows_v, acc.at[cidx_v.at[t]], add=True)

        plsc.subcore_barrier()
        pltpu.sync_copy(acc.at[pl.ds(sid * rows_per_sub, rows_per_sub)],
                        out_hbm.at[cid].at[pl.ds(sid * rows_per_sub, rows_per_sub)])

    return agg_kernel(table, row3, col3)


def _dis_from_deg(deg_blk):
    d = jnp.sum(deg_blk[...], axis=0)
    dis = jnp.where(d > 0, lax.rsqrt(jnp.maximum(d, 1e-12)), 0.0)
    return dis[:, None]


def _tc_scale_matmul(xp, w, deg2):
    n_pad = xp.shape[0]
    blk = 512
    grid = (n_pad // blk,)

    def body(x_ref, w_ref, deg_ref, o_ref):
        dis = _dis_from_deg(deg_ref)
        t = jnp.dot(x_ref[...], w_ref[...], preferred_element_type=jnp.float32)
        o_ref[...] = t * dis

    return pl.pallas_call(
        body,
        grid=grid,
        in_specs=[
            pl.BlockSpec((blk, 128), lambda i: (i, 0)),
            pl.BlockSpec((128, 128), lambda i: (0, 0)),
            pl.BlockSpec((NW, blk), lambda i: (0, i)),
        ],
        out_specs=pl.BlockSpec((blk, 128), lambda i: (i, 0)),
        out_shape=jax.ShapeDtypeStruct((n_pad, 128), jnp.float32),
    )(xp, w, deg2)


def _tc_mid(acc2, deg2, b, w):
    n_pad = acc2.shape[1]
    blk = 512
    grid = (n_pad // blk,)

    def body(a_ref, deg_ref, b_ref, w_ref, o_ref):
        dis = _dis_from_deg(deg_ref)
        g = a_ref[0] + a_ref[1]
        h = g * dis + b_ref[...]
        t = jnp.dot(h, w_ref[...], preferred_element_type=jnp.float32)
        o_ref[...] = t * dis

    return pl.pallas_call(
        body,
        grid=grid,
        in_specs=[
            pl.BlockSpec((2, blk, 128), lambda i: (0, i, 0)),
            pl.BlockSpec((NW, blk), lambda i: (0, i)),
            pl.BlockSpec((1, 128), lambda i: (0, 0)),
            pl.BlockSpec((128, 128), lambda i: (0, 0)),
        ],
        out_specs=pl.BlockSpec((blk, 128), lambda i: (i, 0)),
        out_shape=jax.ShapeDtypeStruct((n_pad, 128), jnp.float32),
    )(acc2, deg2, b, w)


def _tc_final(acc2, deg2, b, xp):
    n_pad = xp.shape[0]
    blk = 512
    grid = (n_pad // blk,)

    def body(a_ref, deg_ref, b_ref, x_ref, o_ref):
        dis = _dis_from_deg(deg_ref)
        g = a_ref[0] + a_ref[1]
        h = g * dis + b_ref[...]
        nrm = jnp.sqrt(jnp.sum(h * h, axis=1, keepdims=True))
        o_ref[...] = h / jnp.maximum(nrm, 1e-12) + x_ref[...]

    return pl.pallas_call(
        body,
        grid=grid,
        in_specs=[
            pl.BlockSpec((2, blk, 128), lambda i: (0, i, 0)),
            pl.BlockSpec((NW, blk), lambda i: (0, i)),
            pl.BlockSpec((1, 128), lambda i: (0, 0)),
            pl.BlockSpec((blk, 128), lambda i: (i, 0)),
        ],
        out_specs=pl.BlockSpec((blk, 128), lambda i: (i, 0)),
        out_shape=jax.ShapeDtypeStruct((n_pad, 128), jnp.float32),
    )(acc2, deg2, b, xp)


def kernel(x, edge_index, W1, b1, W2, b2):
    n, d = x.shape
    e = edge_index.shape[1]

    n_pad = ((n + 1 + 2047) // 2048) * 2048
    per_w = -(-e // (NW * CHUNK)) * CHUNK
    e_pad = per_w * NW

    row = edge_index[0]
    col = edge_index[1]
    pad_e = jnp.full((e_pad - e,), n, jnp.int32)
    row3 = jnp.concatenate([row, pad_e]).reshape(NW, per_w // CHUNK, CHUNK)
    col3 = jnp.concatenate([col, pad_e]).reshape(NW, per_w // CHUNK, CHUNK)
    xp = jnp.pad(x, ((0, n_pad - n), (0, 0)))
    b1r = b1.reshape(1, d)
    b2r = b2.reshape(1, d)

    deg2 = _sc_degree(col3, n_pad)
    t1 = _tc_scale_matmul(xp, W1, deg2)
    a1 = _sc_aggregate(t1, row3, col3)
    t2 = _tc_mid(a1, deg2, b1r, W2)
    a2 = _sc_aggregate(t2, row3, col3)
    return _tc_final(a2, deg2, b2r, xp)[:n]

# --- scband reference (transcript-rebuilt; emitter-appended) ---
"""Pipeline reference for scband-crgcn-72619307041534 (READ-ONLY COPY).

The authoritative reference and input builder live on the scoring server;
editing this copy changes nothing except your own understanding.
"""

import jax, jax.numpy as jnp
import numpy as np

N = 10000
E = 320000
D = 128

def setup_inputs(seed: int = 0) -> dict:
    key = jax.random.key(seed)
    k1, k2, k3, k4 = jax.random.split(key, 4)
    x = jax.random.normal(k1, (N, D), dtype=jnp.float32)
    edge_index = jax.random.randint(k2, (2, E), 0, N, dtype=jnp.int32)
    W1 = jax.random.normal(k3, (D, D), dtype=jnp.float32) * 0.05
    W2 = jax.random.normal(k4, (D, D), dtype=jnp.float32) * 0.05
    b1 = jnp.zeros((D,), dtype=jnp.float32)
    b2 = jnp.zeros((D,), dtype=jnp.float32)
    return {"x": x, "edge_index": edge_index, "W1": W1, "b1": b1, "W2": W2, "b2": b2}


def _gcn_conv(h, edge_index, W, b):
    # PyG GCNConv with add_self_loops=False:
    # 1) linear transform, 2) symmetric normalization, 3) scatter-add aggregation, 4) + bias
    row = edge_index[0]
    col = edge_index[1]
    hw = h @ W
    deg = jnp.zeros((N,), dtype=h.dtype).at[col].add(1.0)
    deg_inv_sqrt = jnp.where(deg > 0, 1.0 / jnp.sqrt(jnp.maximum(deg, 1e-12)), 0.0)
    norm = deg_inv_sqrt[row] * deg_inv_sqrt[col]
    msgs = norm[:, None] * hw[row]  # gather from source nodes
    out = jnp.zeros_like(hw).at[col].add(msgs)  # scatter-add to destination nodes
    return out + b


def reference(x, edge_index, W1, b1, W2, b2):
    # GraphEncoder: stack of GCNConv layers (dropout=0 in eval)
    h = x
    h = _gcn_conv(h, edge_index, W1, b1)
    h = _gcn_conv(h, edge_index, W2, b2)
    # CRGCN.gcn_propagate: layer_embeddings = F.normalize(encoder(x)), residual add
    nrm = jnp.maximum(jnp.linalg.norm(h, axis=-1, keepdims=True), 1e-12)
    layer_embeddings = h / nrm
    total_embeddings = layer_embeddings + x
    return total_embeddings

if __name__ == "__main__":
    import jax
    _d = setup_inputs()
    print(jax.jit(kernel)(*tuple(_d.values())))

</pallas_src>

<mosaic_0001>
#map = affine_map<(d0, d1) -> (0, 0, 0)>
#map1 = affine_map<(d0, d1) -> (0, 0)>
module attributes {stable_mosaic.version = 14 : i64} {
  func.func @deg_kernel(%arg0: i32, %arg1: i32, %arg2: memref<32x79x128xi32, #tpu.memory_space<hbm>>, %arg3: memref<32x10240xf32, #tpu.memory_space<hbm>>, %arg4: memref<79x128xi32, #tpu.memory_space<vmem>>, %arg5: memref<10240xf32, #tpu.memory_space<vmem>>) attributes {dimension_semantics = [#tpu.dimension_semantics<core_parallel>, #tpu.dimension_semantics<subcore_parallel>], iteration_bounds = array<i64: 2, 16>, scalar_prefetch = 0 : i64, scratch_operands = 2 : i64, tpu.core_type = #tpu.core_type<sc_vector_subcore>, window_params = [{transform_indices = #map}, {transform_indices = #map1}]} {
    %mul3A = arith.constant 2 : i32
    %mul3A_0 = arith.muli %arg1, %mul3A : i32
    %add3A = arith.addi %mul3A_0, %arg0 : i32
    %broadcast_in_dim3A = arith.constant 0.000000e+00 : f32
    %broadcast_in_dim3A_1 = vector.broadcast %broadcast_in_dim3A : f32 to vector<16xf32>
    %broadcast_in_dim3A_2 = arith.constant 1.000000e+00 : f32
    %broadcast_in_dim3A_3 = vector.broadcast %broadcast_in_dim3A_2 : f32 to vector<16xf32>
    %scan3A = arith.constant 0 : i32
    %scan3A_4 = arith.constant 640 : i32
    %scan3A_5 = arith.addi %scan3A, %scan3A_4 : i32
    %scan3A_6 = arith.constant 1 : i32
    scf.for %scan3A_13 = %scan3A to %scan3A_5 step %scan3A_6  : i32 {
      %mul3A_14 = arith.constant 1 : i32
      %mul3A_15 = arith.muli %scan3A_13, %mul3A_14 : i32
      %add3A_16 = arith.constant 0 : i32
      %add3A_17 = arith.addi %add3A_16, %mul3A_15 : i32
      %mul3A_18 = arith.constant 16 : i32
      %mul3A_19 = arith.muli %add3A_17, %mul3A_18 : i32
      %swap3A = arith.index_cast %mul3A_19 : i32 to index
      %swap3A_20 = tpu.vector_load %arg5[%swap3A] {strides = array<i32>} : memref<10240xf32, #tpu.memory_space<vmem>>, vector<16xf32>,
      tpu.vector_store %arg5[%swap3A], %broadcast_in_dim3A_1 {strides = array<i32>} : memref<10240xf32, #tpu.memory_space<vmem>>, vector<16xf32>,
    }
    %scan3A_7 = arith.constant 640 : i32
    "tpu.region"() ({
      %run_scoped3A = tpu.sem_alloc : memref<!tpu.dma_semaphore, #tpu.memory_space<semaphore_mem>>
      %dma_start3A = arith.constant 0 : i32
      %dma_start3A_13 = arith.constant 0 : i32
      %dma_start3A_14 = tpu.memref_slice %arg2[%add3A, %dma_start3A, %dma_start3A_13] : memref<32x79x128xi32, #tpu.memory_space<hbm>> -> memref<1x79x128xi32, #tpu.memory_space<hbm>>
      %dma_start3A_15 = tpu.memref_squeeze %dma_start3A_14 : memref<1x79x128xi32, #tpu.memory_space<hbm>> -> memref<79x128xi32, #tpu.memory_space<hbm>>
      %dma_start3A_16 = arith.constant 0 : i32
      %dma_start3A_17 = arith.constant 0 : i32
      %dma_start3A_18 = tpu.memref_slice %arg2[%add3A, %dma_start3A_16, %dma_start3A_17] : memref<32x79x128xi32, #tpu.memory_space<hbm>> -> memref<1x79x128xi32, #tpu.memory_space<hbm>>
      %dma_start3A_19 = tpu.memref_squeeze %dma_start3A_18 : memref<1x79x128xi32, #tpu.memory_space<hbm>> -> memref<79x128xi32, #tpu.memory_space<hbm>>
      tpu.enqueue_dma source(%dma_start3A_19 : memref<79x128xi32, #tpu.memory_space<hbm>>) target(%arg4 : memref<79x128xi32, #tpu.memory_space<vmem>>) target_semaphore(%run_scoped3A : memref<!tpu.dma_semaphore, #tpu.memory_space<semaphore_mem>>)
      %dma_wait3A = arith.constant 0 : i32
      %dma_wait3A_20 = arith.constant 0 : i32
      %dma_wait3A_21 = tpu.memref_slice %arg2[%add3A, %dma_wait3A, %dma_wait3A_20] : memref<32x79x128xi32, #tpu.memory_space<hbm>> -> memref<1x79x128xi32, #tpu.memory_space<hbm>>
      %dma_wait3A_22 = tpu.memref_squeeze %dma_wait3A_21 : memref<1x79x128xi32, #tpu.memory_space<hbm>> -> memref<79x128xi32, #tpu.memory_space<hbm>>
      %dma_wait3A_23 = arith.constant 0 : i32
      %dma_wait3A_24 = arith.constant 0 : i32
      %dma_wait3A_25 = tpu.memref_slice %arg2[%add3A, %dma_wait3A_23, %dma_wait3A_24] : memref<32x79x128xi32, #tpu.memory_space<hbm>> -> memref<1x79x128xi32, #tpu.memory_space<hbm>>
      %dma_wait3A_26 = tpu.memref_squeeze %dma_wait3A_25 : memref<1x79x128xi32, #tpu.memory_space<hbm>> -> memref<79x128xi32, #tpu.memory_space<hbm>>
      tpu.wait_dma2 semaphore(%run_scoped3A : memref<!tpu.dma_semaphore, #tpu.memory_space<semaphore_mem>>) src(%dma_wait3A_26 : memref<79x128xi32, #tpu.memory_space<hbm>>) dst(%arg4 : memref<79x128xi32, #tpu.memory_space<vmem>>)
      tpu.yield
    }) : () -> ()
    %scan3A_8 = arith.constant 0 : i32
    %scan3A_9 = arith.constant 79 : i32
    %scan3A_10 = arith.addi %scan3A_8, %scan3A_9 : i32
    %scan3A_11 = arith.constant 1 : i32
    scf.for %scan3A_13 = %scan3A_8 to %scan3A_10 step %scan3A_11  : i32 {
      %mul3A_14 = arith.constant 1 : i32
      %mul3A_15 = arith.muli %scan3A_13, %mul3A_14 : i32
      %add3A_16 = arith.constant 0 : i32
      %add3A_17 = arith.addi %add3A_16, %mul3A_15 : i32
      %get3A = arith.index_cast %add3A_17 : i32 to index
      %get3A_18 = arith.constant 0 : index
      %get3A_19 = tpu.vector_load %arg4[%get3A, %get3A_18] {strides = array<i32>} : memref<79x128xi32, #tpu.memory_space<vmem>>, vector<16xi32>,
      tpu.vector_store_idx %arg5[%get3A_19], %broadcast_in_dim3A_3 {add = true} : memref<10240xf32, #tpu.memory_space<vmem>>[vector<16xi32>], vector<16xf32>,
      %get3A_20 = arith.index_cast %add3A_17 : i32 to index
      %get3A_21 = arith.constant 16 : index
      %get3A_22 = tpu.vector_load %arg4[%get3A_20, %get3A_21] {strides = array<i32>} : memref<79x128xi32, #tpu.memory_space<vmem>>, vector<16xi32>,
      tpu.vector_store_idx %arg5[%get3A_22], %broadcast_in_dim3A_3 {add = true} : memref<10240xf32, #tpu.memory_space<vmem>>[vector<16xi32>], vector<16xf32>,
      %get3A_23 = arith.index_cast %add3A_17 : i32 to index
      %get3A_24 = arith.constant 32 : index
      %get3A_25 = tpu.vector_load %arg4[%get3A_23, %get3A_24] {strides = array<i32>} : memref<79x128xi32, #tpu.memory_space<vmem>>, vector<16xi32>,
      tpu.vector_store_idx %arg5[%get3A_25], %broadcast_in_dim3A_3 {add = true} : memref<10240xf32, #tpu.memory_space<vmem>>[vector<16xi32>], vector<16xf32>,
      %get3A_26 = arith.index_cast %add3A_17 : i32 to index
      %get3A_27 = arith.constant 48 : index
      %get3A_28 = tpu.vector_load %arg4[%get3A_26, %get3A_27] {strides = array<i32>} : memref<79x128xi32, #tpu.memory_space<vmem>>, vector<16xi32>,
      tpu.vector_store_idx %arg5[%get3A_28], %broadcast_in_dim3A_3 {add = true} : memref<10240xf32, #tpu.memory_space<vmem>>[vector<16xi32>], vector<16xf32>,
      %get3A_29 = arith.index_cast %add3A_17 : i32 to index
      %get3A_30 = arith.constant 64 : index
      %get3A_31 = tpu.vector_load %arg4[%get3A_29, %get3A_30] {strides = array<i32>} : memref<79x128xi32, #tpu.memory_space<vmem>>, vector<16xi32>,
      tpu.vector_store_idx %arg5[%get3A_31], %broadcast_in_dim3A_3 {add = true} : memref<10240xf32, #tpu.memory_space<vmem>>[vector<16xi32>], vector<16xf32>,
      %get3A_32 = arith.index_cast %add3A_17 : i32 to index
      %get3A_33 = arith.constant 80 : index
      %get3A_34 = tpu.vector_load %arg4[%get3A_32, %get3A_33] {strides = array<i32>} : memref<79x128xi32, #tpu.memory_space<vmem>>, vector<16xi32>,
      tpu.vector_store_idx %arg5[%get3A_34], %broadcast_in_dim3A_3 {add = true} : memref<10240xf32, #tpu.memory_space<vmem>>[vector<16xi32>], vector<16xf32>,
      %get3A_35 = arith.index_cast %add3A_17 : i32 to index
      %get3A_36 = arith.constant 96 : index
      %get3A_37 = tpu.vector_load %arg4[%get3A_35, %get3A_36] {strides = array<i32>} : memref<79x128xi32, #tpu.memory_space<vmem>>, vector<16xi32>,
      tpu.vector_store_idx %arg5[%get3A_37], %broadcast_in_dim3A_3 {add = true} : memref<10240xf32, #tpu.memory_space<vmem>>[vector<16xi32>], vector<16xf32>,
      %get3A_38 = arith.index_cast %add3A_17 : i32 to index
      %get3A_39 = arith.constant 112 : index
      %get3A_40 = tpu.vector_load %arg4[%get3A_38, %get3A_39] {strides = array<i32>} : memref<79x128xi32, #tpu.memory_space<vmem>>, vector<16xi32>,
      tpu.vector_store_idx %arg5[%get3A_40], %broadcast_in_dim3A_3 {add = true} : memref<10240xf32, #tpu.memory_space<vmem>>[vector<16xi32>], vector<16xf32>,
    }
    %scan3A_12 = arith.constant 79 : i32
    "tpu.region"() ({
      %run_scoped3A = tpu.sem_alloc : memref<!tpu.dma_semaphore, #tpu.memory_space<semaphore_mem>>
      %dma_start3A = arith.constant 0 : i32
      %dma_start3A_13 = tpu.memref_slice %arg3[%add3A, %dma_start3A] : memref<32x10240xf32, #tpu.memory_space<hbm>> -> memref<1x10240xf32, #tpu.memory_space<hbm>>
      %dma_start3A_14 = tpu.memref_squeeze %dma_start3A_13 : memref<1x10240xf32, #tpu.memory_space<hbm>> -> memref<10240xf32, #tpu.memory_space<hbm>>
      %dma_start3A_15 = arith.constant 0 : i32
      %dma_start3A_16 = tpu.memref_slice %arg3[%add3A, %dma_start3A_15] : memref<32x10240xf32, #tpu.memory_space<hbm>> -> memref<1x10240xf32, #tpu.memory_space<hbm>>
      %dma_start3A_17 = tpu.memref_squeeze %dma_start3A_16 : memref<1x10240xf32, #tpu.memory_space<hbm>> -> memref<10240xf32, #tpu.memory_space<hbm>>
      tpu.enqueue_dma source(%arg5 : memref<10240xf32, #tpu.memory_space<vmem>>) target(%dma_start3A_17 : memref<10240xf32, #tpu.memory_space<hbm>>) target_semaphore(%run_scoped3A : memref<!tpu.dma_semaphore, #tpu.memory_space<semaphore_mem>>)
      %dma_wait3A = arith.constant 0 : i32
      %dma_wait3A_18 = tpu.memref_slice %arg3[%add3A, %dma_wait3A] : memref<32x10240xf32, #tpu.memory_space<hbm>> -> memref<1x10240xf32, #tpu.memory_space<hbm>>
      %dma_wait3A_19 = tpu.memref_squeeze %dma_wait3A_18 : memref<1x10240xf32, #tpu.memory_space<hbm>> -> memref<10240xf32, #tpu.memory_space<hbm>>
      %dma_wait3A_20 = arith.constant 0 : i32
      %dma_wait3A_21 = tpu.memref_slice %arg3[%add3A, %dma_wait3A_20] : memref<32x10240xf32, #tpu.memory_space<hbm>> -> memref<1x10240xf32, #tpu.memory_space<hbm>>
      %dma_wait3A_22 = tpu.memref_squeeze %dma_wait3A_21 : memref<1x10240xf32, #tpu.memory_space<hbm>> -> memref<10240xf32, #tpu.memory_space<hbm>>
      tpu.wait_dma2 semaphore(%run_scoped3A : memref<!tpu.dma_semaphore, #tpu.memory_space<semaphore_mem>>) src(%arg5 : memref<10240xf32, #tpu.memory_space<vmem>>) dst(%dma_wait3A_22 : memref<10240xf32, #tpu.memory_space<hbm>>)
      tpu.yield
    }) : () -> ()
    return
  }
}

#map = affine_map<(d0, d1) -> (0, 0)>
#map1 = affine_map<(d0, d1) -> (0, 0, 0)>
module attributes {stable_mosaic.version = 14 : i64} {
  func.func @agg_kernel(%arg0: i32, %arg1: i32, %arg2: memref<10240x128xf32, #tpu.memory_space<hbm>>, %arg3: memref<32x79x128xi32, #tpu.memory_space<hbm>>, %arg4: memref<32x79x128xi32, #tpu.memory_space<hbm>>, %arg5: memref<2x10240x128xf32, #tpu.memory_space<hbm>>, %arg6: memref<79x128xi32, #tpu.memory_space<vmem>>, %arg7: memref<79x128xi32, #tpu.memory_space<vmem>>, %arg8: memref<128x128xf32, #tpu.memory_space<vmem>>, %arg9: memref<10240x128xf32, #tpu.memory_space<vmem_shared>>, %arg10: memref<!tpu.dma_semaphore, #tpu.memory_space<semaphore_mem>>) attributes {dimension_semantics = [#tpu.dimension_semantics<core_parallel>, #tpu.dimension_semantics<subcore_parallel>], iteration_bounds = array<i64: 2, 16>, scalar_prefetch = 0 : i64, scratch_operands = 5 : i64, tpu.core_type = #tpu.core_type<sc_vector_subcore>, window_params = [{transform_indices = #map}, {transform_indices = #map1}, {transform_indices = #map1}, {transform_indices = #map1}]} {
    %mul3A = arith.constant 2 : i32
    %mul3A_0 = arith.muli %arg1, %mul3A : i32
    %add3A = arith.addi %mul3A_0, %arg0 : i32
    %broadcast_in_dim3A = arith.constant 0.000000e+00 : f32
    %broadcast_in_dim3A_1 = vector.broadcast %broadcast_in_dim3A : f32 to vector<16xf32>
    %scan3A = arith.constant 0 : i32
    %scan3A_2 = arith.constant 128 : i32
    %scan3A_3 = arith.addi %scan3A, %scan3A_2 : i32
    %scan3A_4 = arith.constant 1 : i32
    scf.for %scan3A_36 = %scan3A to %scan3A_3 step %scan3A_4  : i32 {
      %mul3A_37 = arith.constant 1 : i32
      %mul3A_38 = arith.muli %scan3A_36, %mul3A_37 : i32
      %add3A_39 = arith.constant 0 : i32
      %add3A_40 = arith.addi %add3A_39, %mul3A_38 : i32
      %swap3A = arith.index_cast %add3A_40 : i32 to index
      %swap3A_41 = arith.constant 0 : index
      %swap3A_42 = tpu.vector_load %arg8[%swap3A, %swap3A_41] {strides = array<i32>} : memref<128x128xf32, #tpu.memory_space<vmem>>, vector<1x16xf32>,
      %swap3A_43 = vector.shape_cast %swap3A_42 : vector<1x16xf32> to vector<16xf32>
      %swap3A_44 = vector.shape_cast %broadcast_in_dim3A_1 : vector<16xf32> to vector<1x16xf32>
      tpu.vector_store %arg8[%swap3A, %swap3A_41], %swap3A_44 {strides = array<i32>} : memref<128x128xf32, #tpu.memory_space<vmem>>, vector<1x16xf32>,
      %swap3A_45 = arith.index_cast %add3A_40 : i32 to index
      %swap3A_46 = arith.constant 16 : index
      %swap3A_47 = tpu.vector_load %arg8[%swap3A_45, %swap3A_46] {strides = array<i32>} : memref<128x128xf32, #tpu.memory_space<vmem>>, vector<1x16xf32>,
      %swap3A_48 = vector.shape_cast %swap3A_47 : vector<1x16xf32> to vector<16xf32>
      %swap3A_49 = vector.shape_cast %broadcast_in_dim3A_1 : vector<16xf32> to vector<1x16xf32>
      tpu.vector_store %arg8[%swap3A_45, %swap3A_46], %swap3A_49 {strides = array<i32>} : memref<128x128xf32, #tpu.memory_space<vmem>>, vector<1x16xf32>,
      %swap3A_50 = arith.index_cast %add3A_40 : i32 to index
      %swap3A_51 = arith.constant 32 : index
      %swap3A_52 = tpu.vector_load %arg8[%swap3A_50, %swap3A_51] {strides = array<i32>} : memref<128x128xf32, #tpu.memory_space<vmem>>, vector<1x16xf32>,
      %swap3A_53 = vector.shape_cast %swap3A_52 : vector<1x16xf32> to vector<16xf32>
      %swap3A_54 = vector.shape_cast %broadcast_in_dim3A_1 : vector<16xf32> to vector<1x16xf32>
      tpu.vector_store %arg8[%swap3A_50, %swap3A_51], %swap3A_54 {strides = array<i32>} : memref<128x128xf32, #tpu.memory_space<vmem>>, vector<1x16xf32>,
      %swap3A_55 = arith.index_cast %add3A_40 : i32 to index
      %swap3A_56 = arith.constant 48 : index
      %swap3A_57 = tpu.vector_load %arg8[%swap3A_55, %swap3A_56] {strides = array<i32>} : memref<128x128xf32, #tpu.memory_space<vmem>>, vector<1x16xf32>,
      %swap3A_58 = vector.shape_cast %swap3A_57 : vector<1x16xf32> to vector<16xf32>
      %swap3A_59 = vector.shape_cast %broadcast_in_dim3A_1 : vector<16xf32> to vector<1x16xf32>
      tpu.vector_store %arg8[%swap3A_55, %swap3A_56], %swap3A_59 {strides = array<i32>} : memref<128x128xf32, #tpu.memory_space<vmem>>, vector<1x16xf32>,
      %swap3A_60 = arith.index_cast %add3A_40 : i32 to index
      %swap3A_61 = arith.constant 64 : index
      %swap3A_62 = tpu.vector_load %arg8[%swap3A_60, %swap3A_61] {strides = array<i32>} : memref<128x128xf32, #tpu.memory_space<vmem>>, vector<1x16xf32>,
      %swap3A_63 = vector.shape_cast %swap3A_62 : vector<1x16xf32> to vector<16xf32>
      %swap3A_64 = vector.shape_cast %broadcast_in_dim3A_1 : vector<16xf32> to vector<1x16xf32>
      tpu.vector_store %arg8[%swap3A_60, %swap3A_61], %swap3A_64 {strides = array<i32>} : memref<128x128xf32, #tpu.memory_space<vmem>>, vector<1x16xf32>,
      %swap3A_65 = arith.index_cast %add3A_40 : i32 to index
      %swap3A_66 = arith.constant 80 : index
      %swap3A_67 = tpu.vector_load %arg8[%swap3A_65, %swap3A_66] {strides = array<i32>} : memref<128x128xf32, #tpu.memory_space<vmem>>, vector<1x16xf32>,
      %swap3A_68 = vector.shape_cast %swap3A_67 : vector<1x16xf32> to vector<16xf32>
      %swap3A_69 = vector.shape_cast %broadcast_in_dim3A_1 : vector<16xf32> to vector<1x16xf32>
      tpu.vector_store %arg8[%swap3A_65, %swap3A_66], %swap3A_69 {strides = array<i32>} : memref<128x128xf32, #tpu.memory_space<vmem>>, vector<1x16xf32>,
      %swap3A_70 = arith.index_cast %add3A_40 : i32 to index
      %swap3A_71 = arith.constant 96 : index
      %swap3A_72 = tpu.vector_load %arg8[%swap3A_70, %swap3A_71] {strides = array<i32>} : memref<128x128xf32, #tpu.memory_space<vmem>>, vector<1x16xf32>,
      %swap3A_73 = vector.shape_cast %swap3A_72 : vector<1x16xf32> to vector<16xf32>
      %swap3A_74 = vector.shape_cast %broadcast_in_dim3A_1 : vector<16xf32> to vector<1x16xf32>
      tpu.vector_store %arg8[%swap3A_70, %swap3A_71], %swap3A_74 {strides = array<i32>} : memref<128x128xf32, #tpu.memory_space<vmem>>, vector<1x16xf32>,
      %swap3A_75 = arith.index_cast %add3A_40 : i32 to index
      %swap3A_76 = arith.constant 112 : index
      %swap3A_77 = tpu.vector_load %arg8[%swap3A_75, %swap3A_76] {strides = array<i32>} : memref<128x128xf32, #tpu.memory_space<vmem>>, vector<1x16xf32>,
      %swap3A_78 = vector.shape_cast %swap3A_77 : vector<1x16xf32> to vector<16xf32>
      %swap3A_79 = vector.shape_cast %broadcast_in_dim3A_1 : vector<16xf32> to vector<1x16xf32>
      tpu.vector_store %arg8[%swap3A_75, %swap3A_76], %swap3A_79 {strides = array<i32>} : memref<128x128xf32, #tpu.memory_space<vmem>>, vector<1x16xf32>,
    }
    %scan3A_5 = arith.constant 128 : i32
    "tpu.region"() ({
      %run_scoped3A = tpu.sem_alloc : memref<!tpu.dma_semaphore, #tpu.memory_space<semaphore_mem>>
      %dma_start3A = arith.constant 0 : i32
      %dma_start3A_36 = arith.constant 0 : i32
      %dma_start3A_37 = tpu.memref_slice %arg3[%add3A, %dma_start3A, %dma_start3A_36] : memref<32x79x128xi32, #tpu.memory_space<hbm>> -> memref<1x79x128xi32, #tpu.memory_space<hbm>>
      %dma_start3A_38 = tpu.memref_squeeze %dma_start3A_37 : memref<1x79x128xi32, #tpu.memory_space<hbm>> -> memref<79x128xi32, #tpu.memory_space<hbm>>
      %dma_start3A_39 = arith.constant 0 : i32
      %dma_start3A_40 = arith.constant 0 : i32
      %dma_start3A_41 = tpu.memref_slice %arg3[%add3A, %dma_start3A_39, %dma_start3A_40] : memref<32x79x128xi32, #tpu.memory_space<hbm>> -> memref<1x79x128xi32, #tpu.memory_space<hbm>>
      %dma_start3A_42 = tpu.memref_squeeze %dma_start3A_41 : memref<1x79x128xi32, #tpu.memory_space<hbm>> -> memref<79x128xi32, #tpu.memory_space<hbm>>
      tpu.enqueue_dma source(%dma_start3A_42 : memref<79x128xi32, #tpu.memory_space<hbm>>) target(%arg6 : memref<79x128xi32, #tpu.memory_space<vmem>>) target_semaphore(%run_scoped3A : memref<!tpu.dma_semaphore, #tpu.memory_space<semaphore_mem>>)
      %dma_wait3A = arith.constant 0 : i32
      %dma_wait3A_43 = arith.constant 0 : i32
      %dma_wait3A_44 = tpu.memref_slice %arg3[%add3A, %dma_wait3A, %dma_wait3A_43] : memref<32x79x128xi32, #tpu.memory_space<hbm>> -> memref<1x79x128xi32, #tpu.memory_space<hbm>>
      %dma_wait3A_45 = tpu.memref_squeeze %dma_wait3A_44 : memref<1x79x128xi32, #tpu.memory_space<hbm>> -> memref<79x128xi32, #tpu.memory_space<hbm>>
      %dma_wait3A_46 = arith.constant 0 : i32
      %dma_wait3A_47 = arith.constant 0 : i32
      %dma_wait3A_48 = tpu.memref_slice %arg3[%add3A, %dma_wait3A_46, %dma_wait3A_47] : memref<32x79x128xi32, #tpu.memory_space<hbm>> -> memref<1x79x128xi32, #tpu.memory_space<hbm>>
      %dma_wait3A_49 = tpu.memref_squeeze %dma_wait3A_48 : memref<1x79x128xi32, #tpu.memory_space<hbm>> -> memref<79x128xi32, #tpu.memory_space<hbm>>
      tpu.wait_dma2 semaphore(%run_scoped3A : memref<!tpu.dma_semaphore, #tpu.memory_space<semaphore_mem>>) src(%dma_wait3A_49 : memref<79x128xi32, #tpu.memory_space<hbm>>) dst(%arg6 : memref<79x128xi32, #tpu.memory_space<vmem>>)
      tpu.yield
    }) : () -> ()
    "tpu.region"() ({
      %run_scoped3A = tpu.sem_alloc : memref<!tpu.dma_semaphore, #tpu.memory_space<semaphore_mem>>
      %dma_start3A = arith.constant 0 : i32
      %dma_start3A_36 = arith.constant 0 : i32
      %dma_start3A_37 = tpu.memref_slice %arg4[%add3A, %dma_start3A, %dma_start3A_36] : memref<32x79x128xi32, #tpu.memory_space<hbm>> -> memref<1x79x128xi32, #tpu.memory_space<hbm>>
      %dma_start3A_38 = tpu.memref_squeeze %dma_start3A_37 : memref<1x79x128xi32, #tpu.memory_space<hbm>> -> memref<79x128xi32, #tpu.memory_space<hbm>>
      %dma_start3A_39 = arith.constant 0 : i32
      %dma_start3A_40 = arith.constant 0 : i32
      %dma_start3A_41 = tpu.memref_slice %arg4[%add3A, %dma_start3A_39, %dma_start3A_40] : memref<32x79x128xi32, #tpu.memory_space<hbm>> -> memref<1x79x128xi32, #tpu.memory_space<hbm>>
      %dma_start3A_42 = tpu.memref_squeeze %dma_start3A_41 : memref<1x79x128xi32, #tpu.memory_space<hbm>> -> memref<79x128xi32, #tpu.memory_space<hbm>>
      tpu.enqueue_dma source(%dma_start3A_42 : memref<79x128xi32, #tpu.memory_space<hbm>>) target(%arg7 : memref<79x128xi32, #tpu.memory_space<vmem>>) target_semaphore(%run_scoped3A : memref<!tpu.dma_semaphore, #tpu.memory_space<semaphore_mem>>)
      %dma_wait3A = arith.constant 0 : i32
      %dma_wait3A_43 = arith.constant 0 : i32
      %dma_wait3A_44 = tpu.memref_slice %arg4[%add3A, %dma_wait3A, %dma_wait3A_43] : memref<32x79x128xi32, #tpu.memory_space<hbm>> -> memref<1x79x128xi32, #tpu.memory_space<hbm>>
      %dma_wait3A_45 = tpu.memref_squeeze %dma_wait3A_44 : memref<1x79x128xi32, #tpu.memory_space<hbm>> -> memref<79x128xi32, #tpu.memory_space<hbm>>
      %dma_wait3A_46 = arith.constant 0 : i32
      %dma_wait3A_47 = arith.constant 0 : i32
      %dma_wait3A_48 = tpu.memref_slice %arg4[%add3A, %dma_wait3A_46, %dma_wait3A_47] : memref<32x79x128xi32, #tpu.memory_space<hbm>> -> memref<1x79x128xi32, #tpu.memory_space<hbm>>
      %dma_wait3A_49 = tpu.memref_squeeze %dma_wait3A_48 : memref<1x79x128xi32, #tpu.memory_space<hbm>> -> memref<79x128xi32, #tpu.memory_space<hbm>>
      tpu.wait_dma2 semaphore(%run_scoped3A : memref<!tpu.dma_semaphore, #tpu.memory_space<semaphore_mem>>) src(%dma_wait3A_49 : memref<79x128xi32, #tpu.memory_space<hbm>>) dst(%arg7 : memref<79x128xi32, #tpu.memory_space<vmem>>)
      tpu.yield
    }) : () -> ()
    %mul3A_6 = arith.constant 640 : i32
    %mul3A_7 = arith.muli %arg1, %mul3A_6 : i32
    %add3A_8 = arith.constant 0 : i32
    %add3A_9 = arith.addi %mul3A_7, %add3A_8 : i32
    "tpu.region"() ({
      %run_scoped3A = tpu.sem_alloc : memref<!tpu.dma_semaphore, #tpu.memory_space<semaphore_mem>>
      %dma_start3A = arith.constant 0 : i32
      %dma_start3A_36 = tpu.memref_slice %arg9[%add3A_9, %dma_start3A] : memref<10240x128xf32, #tpu.memory_space<vmem_shared>> -> memref<128x128xf32, #tpu.memory_space<vmem_shared>>
      %dma_start3A_37 = arith.constant 0 : i32
      %dma_start3A_38 = tpu.memref_slice %arg9[%add3A_9, %dma_start3A_37] : memref<10240x128xf32, #tpu.memory_space<vmem_shared>> -> memref<128x128xf32, #tpu.memory_space<vmem_shared>>
      tpu.enqueue_dma source(%arg8 : memref<128x128xf32, #tpu.memory_space<vmem>>) target(%dma_start3A_38 : memref<128x128xf32, #tpu.memory_space<vmem_shared>>) target_semaphore(%run_scoped3A : memref<!tpu.dma_semaphore, #tpu.memory_space<semaphore_mem>>)
      %dma_wait3A = arith.constant 0 : i32
      %dma_wait3A_39 = tpu.memref_slice %arg9[%add3A_9, %dma_wait3A] : memref<10240x128xf32, #tpu.memory_space<vmem_shared>> -> memref<128x128xf32, #tpu.memory_space<vmem_shared>>
      %dma_wait3A_40 = arith.constant 0 : i32
      %dma_wait3A_41 = tpu.memref_slice %arg9[%add3A_9, %dma_wait3A_40] : memref<10240x128xf32, #tpu.memory_space<vmem_shared>> -> memref<128x128xf32, #tpu.memory_space<vmem_shared>>
      tpu.wait_dma2 semaphore(%run_scoped3A : memref<!tpu.dma_semaphore, #tpu.memory_space<semaphore_mem>>) src(%arg8 : memref<128x128xf32, #tpu.memory_space<vmem>>) dst(%dma_wait3A_41 : memref<128x128xf32, #tpu.memory_space<vmem_shared>>)
      tpu.yield
    }) : () -> ()
    %mul3A_10 = arith.constant 640 : i32
    %mul3A_11 = arith.muli %arg1, %mul3A_10 : i32
    %add3A_12 = arith.constant 128 : i32
    %add3A_13 = arith.addi %mul3A_11, %add3A_12 : i32
    "tpu.region"() ({
      %run_scoped3A = tpu.sem_alloc : memref<!tpu.dma_semaphore, #tpu.memory_space<semaphore_mem>>
      %dma_start3A = arith.constant 0 : i32
      %dma_start3A_36 = tpu.memref_slice %arg9[%add3A_13, %dma_start3A] : memref<10240x128xf32, #tpu.memory_space<vmem_shared>> -> memref<128x128xf32, #tpu.memory_space<vmem_shared>>
      %dma_start3A_37 = arith.constant 0 : i32
      %dma_start3A_38 = tpu.memref_slice %arg9[%add3A_13, %dma_start3A_37] : memref<10240x128xf32, #tpu.memory_space<vmem_shared>> -> memref<128x128xf32, #tpu.memory_space<vmem_shared>>
      tpu.enqueue_dma source(%arg8 : memref<128x128xf32, #tpu.memory_space<vmem>>) target(%dma_start3A_38 : memref<128x128xf32, #tpu.memory_space<vmem_shared>>) target_semaphore(%run_scoped3A : memref<!tpu.dma_semaphore, #tpu.memory_space<semaphore_mem>>)
      %dma_wait3A = arith.constant 0 : i32
      %dma_wait3A_39 = tpu.memref_slice %arg9[%add3A_13, %dma_wait3A] : memref<10240x128xf32, #tpu.memory_space<vmem_shared>> -> memref<128x128xf32, #tpu.memory_space<vmem_shared>>
      %dma_wait3A_40 = arith.constant 0 : i32
      %dma_wait3A_41 = tpu.memref_slice %arg9[%add3A_13, %dma_wait3A_40] : memref<10240x128xf32, #tpu.memory_space<vmem_shared>> -> memref<128x128xf32, #tpu.memory_space<vmem_shared>>
      tpu.wait_dma2 semaphore(%run_scoped3A : memref<!tpu.dma_semaphore, #tpu.memory_space<semaphore_mem>>) src(%arg8 : memref<128x128xf32, #tpu.memory_space<vmem>>) dst(%dma_wait3A_41 : memref<128x128xf32, #tpu.memory_space<vmem_shared>>)
      tpu.yield
    }) : () -> ()
    %mul3A_14 = arith.constant 640 : i32
    %mul3A_15 = arith.muli %arg1, %mul3A_14 : i32
    %add3A_16 = arith.constant 256 : i32
    %add3A_17 = arith.addi %mul3A_15, %add3A_16 : i32
    "tpu.region"() ({
      %run_scoped3A = tpu.sem_alloc : memref<!tpu.dma_semaphore, #tpu.memory_space<semaphore_mem>>
      %dma_start3A = arith.constant 0 : i32
      %dma_start3A_36 = tpu.memref_slice %arg9[%add3A_17, %dma_start3A] : memref<10240x128xf32, #tpu.memory_space<vmem_shared>> -> memref<128x128xf32, #tpu.memory_space<vmem_shared>>
      %dma_start3A_37 = arith.constant 0 : i32
      %dma_start3A_38 = tpu.memref_slice %arg9[%add3A_17, %dma_start3A_37] : memref<10240x128xf32, #tpu.memory_space<vmem_shared>> -> memref<128x128xf32, #tpu.memory_space<vmem_shared>>
      tpu.enqueue_dma source(%arg8 : memref<128x128xf32, #tpu.memory_space<vmem>>) target(%dma_start3A_38 : memref<128x128xf32, #tpu.memory_space<vmem_shared>>) target_semaphore(%run_scoped3A : memref<!tpu.dma_semaphore, #tpu.memory_space<semaphore_mem>>)
      %dma_wait3A = arith.constant 0 : i32
      %dma_wait3A_39 = tpu.memref_slice %arg9[%add3A_17, %dma_wait3A] : memref<10240x128xf32, #tpu.memory_space<vmem_shared>> -> memref<128x128xf32, #tpu.memory_space<vmem_shared>>
      %dma_wait3A_40 = arith.constant 0 : i32
      %dma_wait3A_41 = tpu.memref_slice %arg9[%add3A_17, %dma_wait3A_40] : memref<10240x128xf32, #tpu.memory_space<vmem_shared>> -> memref<128x128xf32, #tpu.memory_space<vmem_shared>>
      tpu.wait_dma2 semaphore(%run_scoped3A : memref<!tpu.dma_semaphore, #tpu.memory_space<semaphore_mem>>) src(%arg8 : memref<128x128xf32, #tpu.memory_space<vmem>>) dst(%dma_wait3A_41 : memref<128x128xf32, #tpu.memory_space<vmem_shared>>)
      tpu.yield
    }) : () -> ()
    %mul3A_18 = arith.constant 640 : i32
    %mul3A_19 = arith.muli %arg1, %mul3A_18 : i32
    %add3A_20 = arith.constant 384 : i32
    %add3A_21 = arith.addi %mul3A_19, %add3A_20 : i32
    "tpu.region"() ({
      %run_scoped3A = tpu.sem_alloc : memref<!tpu.dma_semaphore, #tpu.memory_space<semaphore_mem>>
      %dma_start3A = arith.constant 0 : i32
      %dma_start3A_36 = tpu.memref_slice %arg9[%add3A_21, %dma_start3A] : memref<10240x128xf32, #tpu.memory_space<vmem_shared>> -> memref<128x128xf32, #tpu.memory_space<vmem_shared>>
      %dma_start3A_37 = arith.constant 0 : i32
      %dma_start3A_38 = tpu.memref_slice %arg9[%add3A_21, %dma_start3A_37] : memref<10240x128xf32, #tpu.memory_space<vmem_shared>> -> memref<128x128xf32, #tpu.memory_space<vmem_shared>>
      tpu.enqueue_dma source(%arg8 : memref<128x128xf32, #tpu.memory_space<vmem>>) target(%dma_start3A_38 : memref<128x128xf32, #tpu.memory_space<vmem_shared>>) target_semaphore(%run_scoped3A : memref<!tpu.dma_semaphore, #tpu.memory_space<semaphore_mem>>)
      %dma_wait3A = arith.constant 0 : i32
      %dma_wait3A_39 = tpu.memref_slice %arg9[%add3A_21, %dma_wait3A] : memref<10240x128xf32, #tpu.memory_space<vmem_shared>> -> memref<128x128xf32, #tpu.memory_space<vmem_shared>>
      %dma_wait3A_40 = arith.constant 0 : i32
      %dma_wait3A_41 = tpu.memref_slice %arg9[%add3A_21, %dma_wait3A_40] : memref<10240x128xf32, #tpu.memory_space<vmem_shared>> -> memref<128x128xf32, #tpu.memory_space<vmem_shared>>
      tpu.wait_dma2 semaphore(%run_scoped3A : memref<!tpu.dma_semaphore, #tpu.memory_space<semaphore_mem>>) src(%arg8 : memref<128x128xf32, #tpu.memory_space<vmem>>) dst(%dma_wait3A_41 : memref<128x128xf32, #tpu.memory_space<vmem_shared>>)
      tpu.yield
    }) : () -> ()
    %mul3A_22 = arith.constant 640 : i32
    %mul3A_23 = arith.muli %arg1, %mul3A_22 : i32
    %add3A_24 = arith.constant 512 : i32
    %add3A_25 = arith.addi %mul3A_23, %add3A_24 : i32
    "tpu.region"() ({
      %run_scoped3A = tpu.sem_alloc : memref<!tpu.dma_semaphore, #tpu.memory_space<semaphore_mem>>
      %dma_start3A = arith.constant 0 : i32
      %dma_start3A_36 = tpu.memref_slice %arg9[%add3A_25, %dma_start3A] : memref<10240x128xf32, #tpu.memory_space<vmem_shared>> -> memref<128x128xf32, #tpu.memory_space<vmem_shared>>
      %dma_start3A_37 = arith.constant 0 : i32
      %dma_start3A_38 = tpu.memref_slice %arg9[%add3A_25, %dma_start3A_37] : memref<10240x128xf32, #tpu.memory_space<vmem_shared>> -> memref<128x128xf32, #tpu.memory_space<vmem_shared>>
      tpu.enqueue_dma source(%arg8 : memref<128x128xf32, #tpu.memory_space<vmem>>) target(%dma_start3A_38 : memref<128x128xf32, #tpu.memory_space<vmem_shared>>) target_semaphore(%run_scoped3A : memref<!tpu.dma_semaphore, #tpu.memory_space<semaphore_mem>>)
      %dma_wait3A = arith.constant 0 : i32
      %dma_wait3A_39 = tpu.memref_slice %arg9[%add3A_25, %dma_wait3A] : memref<10240x128xf32, #tpu.memory_space<vmem_shared>> -> memref<128x128xf32, #tpu.memory_space<vmem_shared>>
      %dma_wait3A_40 = arith.constant 0 : i32
      %dma_wait3A_41 = tpu.memref_slice %arg9[%add3A_25, %dma_wait3A_40] : memref<10240x128xf32, #tpu.memory_space<vmem_shared>> -> memref<128x128xf32, #tpu.memory_space<vmem_shared>>
      tpu.wait_dma2 semaphore(%run_scoped3A : memref<!tpu.dma_semaphore, #tpu.memory_space<semaphore_mem>>) src(%arg8 : memref<128x128xf32, #tpu.memory_space<vmem>>) dst(%dma_wait3A_41 : memref<128x128xf32, #tpu.memory_space<vmem_shared>>)
      tpu.yield
    }) : () -> ()
    %barrier3A = arith.constant 0 : index
    tpu.barrier barrier_id(%barrier3A)
    %scan3A_26 = arith.constant 0 : i32
    %scan3A_27 = arith.constant 79 : i32
    %scan3A_28 = arith.addi %scan3A_26, %scan3A_27 : i32
    %scan3A_29 = arith.constant 1 : i32
    scf.for %scan3A_36 = %scan3A_26 to %scan3A_28 step %scan3A_29  : i32 {
      %mul3A_37 = arith.constant 1 : i32
      %mul3A_38 = arith.muli %scan3A_36, %mul3A_37 : i32
      %add3A_39 = arith.constant 0 : i32
      %add3A_40 = arith.addi %add3A_39, %mul3A_38 : i32
      %dma_start3A = arith.constant 0 : i32
      %dma_start3A_41 = tpu.memref_slice %arg6[%add3A_40, %dma_start3A] : memref<79x128xi32, #tpu.memory_space<vmem>> -> memref<1x128xi32, #tpu.memory_space<vmem>>
      %dma_start3A_42 = tpu.memref_squeeze %dma_start3A_41 : memref<1x128xi32, #tpu.memory_space<vmem>> -> memref<128xi32, #tpu.memory_space<vmem>>
      %dma_start3A_43 = arith.constant 0 : i32
      %dma_start3A_44 = arith.constant 0 : i32
      %dma_start3A_45 = tpu.memref_slice %arg2[%dma_start3A_43, %dma_start3A_44] : memref<10240x128xf32, #tpu.memory_space<hbm>> -> memref<10240x128xf32, #tpu.memory_space<hbm>>
      tpu.enqueue_indirect_dma source(%dma_start3A_45 : memref<10240x128xf32, #tpu.memory_space<hbm>>) target(%arg8 : memref<128x128xf32, #tpu.memory_space<vmem>>) offsets(%dma_start3A_42 : memref<128xi32, #tpu.memory_space<vmem>>) semaphore(%arg10 : memref<!tpu.dma_semaphore, #tpu.memory_space<semaphore_mem>>)
      %dma_wait3A = arith.constant 0 : i32
      %dma_wait3A_46 = tpu.memref_slice %arg6[%add3A_40, %dma_wait3A] : memref<79x128xi32, #tpu.memory_space<vmem>> -> memref<1x128xi32, #tpu.memory_space<vmem>>
      %dma_wait3A_47 = tpu.memref_squeeze %dma_wait3A_46 : memref<1x128xi32, #tpu.memory_space<vmem>> -> memref<128xi32, #tpu.memory_space<vmem>>
      %dma_wait3A_48 = arith.constant 0 : i32
      %dma_wait3A_49 = arith.constant 0 : i32
      %dma_wait3A_50 = tpu.memref_slice %arg2[%dma_wait3A_48, %dma_wait3A_49] : memref<10240x128xf32, #tpu.memory_space<hbm>> -> memref<10240x128xf32, #tpu.memory_space<hbm>>
      tpu.wait_indirect_dma semaphore(%arg10 : memref<!tpu.dma_semaphore, #tpu.memory_space<semaphore_mem>>) src(%dma_wait3A_50 : memref<10240x128xf32, #tpu.memory_space<hbm>>) dst(%arg8 : memref<128x128xf32, #tpu.memory_space<vmem>>)
      "tpu.region"() ({
        %run_scoped3A = tpu.sem_alloc : memref<!tpu.dma_semaphore, #tpu.memory_space<semaphore_mem>>
        %dma_start3A_51 = arith.constant 0 : i32
        %dma_start3A_52 = tpu.memref_slice %arg7[%add3A_40, %dma_start3A_51] : memref<79x128xi32, #tpu.memory_space<vmem>> -> memref<1x128xi32, #tpu.memory_space<vmem>>
        %dma_start3A_53 = tpu.memref_squeeze %dma_start3A_52 : memref<1x128xi32, #tpu.memory_space<vmem>> -> memref<128xi32, #tpu.memory_space<vmem>>
        %dma_start3A_54 = arith.constant 0 : i32
        %dma_start3A_55 = arith.constant 0 : i32
        %dma_start3A_56 = tpu.memref_slice %arg9[%dma_start3A_54, %dma_start3A_55] : memref<10240x128xf32, #tpu.memory_space<vmem_shared>> -> memref<10240x128xf32, #tpu.memory_space<vmem_shared>>
        tpu.enqueue_indirect_dma source(%arg8 : memref<128x128xf32, #tpu.memory_space<vmem>>) target(%dma_start3A_56 : memref<10240x128xf32, #tpu.memory_space<vmem_shared>>) offsets(%dma_start3A_53 : memref<128xi32, #tpu.memory_space<vmem>>) semaphore(%run_scoped3A : memref<!tpu.dma_semaphore, #tpu.memory_space<semaphore_mem>>) {add = true}
        %dma_wait3A_57 = arith.constant 0 : i32
        %dma_wait3A_58 = tpu.memref_slice %arg7[%add3A_40, %dma_wait3A_57] : memref<79x128xi32, #tpu.memory_space<vmem>> -> memref<1x128xi32, #tpu.memory_space<vmem>>
        %dma_wait3A_59 = tpu.memref_squeeze %dma_wait3A_58 : memref<1x128xi32, #tpu.memory_space<vmem>> -> memref<128xi32, #tpu.memory_space<vmem>>
        %dma_wait3A_60 = arith.constant 0 : i32
        %dma_wait3A_61 = arith.constant 0 : i32
        %dma_wait3A_62 = tpu.memref_slice %arg9[%dma_wait3A_60, %dma_wait3A_61] : memref<10240x128xf32, #tpu.memory_space<vmem_shared>> -> memref<10240x128xf32, #tpu.memory_space<vmem_shared>>
        tpu.wait_indirect_dma semaphore(%run_scoped3A : memref<!tpu.dma_semaphore, #tpu.memory_space<semaphore_mem>>) src(%arg8 : memref<128x128xf32, #tpu.memory_space<vmem>>) dst(%dma_wait3A_62 : memref<10240x128xf32, #tpu.memory_space<vmem_shared>>)
        tpu.yield
      }) : () -> ()
    }
    %scan3A_30 = arith.constant 79 : i32
    %barrier3A_31 = arith.constant 0 : index
    tpu.barrier barrier_id(%barrier3A_31)
    %mul3A_32 = arith.constant 640 : i32
    %mul3A_33 = arith.muli %arg1, %mul3A_32 : i32
    %mul3A_34 = arith.constant 640 : i32
    %mul3A_35 = arith.muli %arg1, %mul3A_34 : i32
    "tpu.region"() ({
      %run_scoped3A = tpu.sem_alloc : memref<!tpu.dma_semaphore, #tpu.memory_space<semaphore_mem>>
      %dma_start3A = arith.constant 0 : i32
      %dma_start3A_36 = arith.constant 0 : i32
      %dma_start3A_37 = tpu.memref_slice %arg5[%arg0, %dma_start3A, %dma_start3A_36] : memref<2x10240x128xf32, #tpu.memory_space<hbm>> -> memref<1x10240x128xf32, #tpu.memory_space<hbm>>
      %dma_start3A_38 = tpu.memref_squeeze %dma_start3A_37 : memref<1x10240x128xf32, #tpu.memory_space<hbm>> -> memref<10240x128xf32, #tpu.memory_space<hbm>>
      %dma_start3A_39 = arith.constant 0 : i32
      %dma_start3A_40 = tpu.memref_slice %dma_start3A_38[%mul3A_35, %dma_start3A_39] : memref<10240x128xf32, #tpu.memory_space<hbm>> -> memref<640x128xf32, #tpu.memory_space<hbm>>
      %dma_start3A_41 = arith.constant 0 : i32
      %dma_start3A_42 = tpu.memref_slice %arg9[%mul3A_33, %dma_start3A_41] : memref<10240x128xf32, #tpu.memory_space<vmem_shared>> -> memref<640x128xf32, #tpu.memory_space<vmem_shared>>
      tpu.enqueue_dma source(%dma_start3A_42 : memref<640x128xf32, #tpu.memory_space<vmem_shared>>) target(%dma_start3A_40 : memref<640x128xf32, #tpu.memory_space<hbm>>) target_semaphore(%run_scoped3A : memref<!tpu.dma_semaphore, #tpu.memory_space<semaphore_mem>>)
      %dma_wait3A = arith.constant 0 : i32
      %dma_wait3A_43 = arith.constant 0 : i32
      %dma_wait3A_44 = tpu.memref_slice %arg5[%arg0, %dma_wait3A, %dma_wait3A_43] : memref<2x10240x128xf32, #tpu.memory_space<hbm>> -> memref<1x10240x128xf32, #tpu.memory_space<hbm>>
      %dma_wait3A_45 = tpu.memref_squeeze %dma_wait3A_44 : memref<1x10240x128xf32, #tpu.memory_space<hbm>> -> memref<10240x128xf32, #tpu.memory_space<hbm>>
      %dma_wait3A_46 = arith.constant 0 : i32
      %dma_wait3A_47 = tpu.memref_slice %dma_wait3A_45[%mul3A_35, %dma_wait3A_46] : memref<10240x128xf32, #tpu.memory_space<hbm>> -> memref<640x128xf32, #tpu.memory_space<hbm>>
      %dma_wait3A_48 = arith.constant 0 : i32
      %dma_wait3A_49 = tpu.memref_slice %arg9[%mul3A_33, %dma_wait3A_48] : memref<10240x128xf32, #tpu.memory_space<vmem_shared>> -> memref<640x128xf32, #tpu.memory_space<vmem_shared>>
      tpu.wait_dma2 semaphore(%run_scoped3A : memref<!tpu.dma_semaphore, #tpu.memory_space<semaphore_mem>>) src(%dma_wait3A_49 : memref<640x128xf32, #tpu.memory_space<vmem_shared>>) dst(%dma_wait3A_47 : memref<640x128xf32, #tpu.memory_space<hbm>>)
      tpu.yield
    }) : () -> ()
    return
  }
}

#map = affine_map<(d0, d1) -> (0, 0)>
#map1 = affine_map<(d0, d1) -> (0, 0, 0)>
module attributes {stable_mosaic.version = 14 : i64} {
  func.func @agg_kernel(%arg0: i32, %arg1: i32, %arg2: memref<10240x128xf32, #tpu.memory_space<hbm>>, %arg3: memref<32x79x128xi32, #tpu.memory_space<hbm>>, %arg4: memref<32x79x128xi32, #tpu.memory_space<hbm>>, %arg5: memref<2x10240x128xf32, #tpu.memory_space<hbm>>, %arg6: memref<79x128xi32, #tpu.memory_space<vmem>>, %arg7: memref<79x128xi32, #tpu.memory_space<vmem>>, %arg8: memref<128x128xf32, #tpu.memory_space<vmem>>, %arg9: memref<10240x128xf32, #tpu.memory_space<vmem_shared>>, %arg10: memref<!tpu.dma_semaphore, #tpu.memory_space<semaphore_mem>>) attributes {dimension_semantics = [#tpu.dimension_semantics<core_parallel>, #tpu.dimension_semantics<subcore_parallel>], iteration_bounds = array<i64: 2, 16>, scalar_prefetch = 0 : i64, scratch_operands = 5 : i64, tpu.core_type = #tpu.core_type<sc_vector_subcore>, window_params = [{transform_indices = #map}, {transform_indices = #map1}, {transform_indices = #map1}, {transform_indices = #map1}]} {
    %mul3A = arith.constant 2 : i32
    %mul3A_0 = arith.muli %arg1, %mul3A : i32
    %add3A = arith.addi %mul3A_0, %arg0 : i32
    %broadcast_in_dim3A = arith.constant 0.000000e+00 : f32
    %broadcast_in_dim3A_1 = vector.broadcast %broadcast_in_dim3A : f32 to vector<16xf32>
    %scan3A = arith.constant 0 : i32
    %scan3A_2 = arith.constant 128 : i32
    %scan3A_3 = arith.addi %scan3A, %scan3A_2 : i32
    %scan3A_4 = arith.constant 1 : i32
    scf.for %scan3A_36 = %scan3A to %scan3A_3 step %scan3A_4  : i32 {
      %mul3A_37 = arith.constant 1 : i32
      %mul3A_38 = arith.muli %scan3A_36, %mul3A_37 : i32
      %add3A_39 = arith.constant 0 : i32
      %add3A_40 = arith.addi %add3A_39, %mul3A_38 : i32
      %swap3A = arith.index_cast %add3A_40 : i32 to index
      %swap3A_41 = arith.constant 0 : index
      %swap3A_42 = tpu.vector_load %arg8[%swap3A, %swap3A_41] {strides = array<i32>} : memref<128x128xf32, #tpu.memory_space<vmem>>, vector<1x16xf32>,
      %swap3A_43 = vector.shape_cast %swap3A_42 : vector<1x16xf32> to vector<16xf32>
      %swap3A_44 = vector.shape_cast %broadcast_in_dim3A_1 : vector<16xf32> to vector<1x16xf32>
      tpu.vector_store %arg8[%swap3A, %swap3A_41], %swap3A_44 {strides = array<i32>} : memref<128x128xf32, #tpu.memory_space<vmem>>, vector<1x16xf32>,
      %swap3A_45 = arith.index_cast %add3A_40 : i32 to index
      %swap3A_46 = arith.constant 16 : index
      %swap3A_47 = tpu.vector_load %arg8[%swap3A_45, %swap3A_46] {strides = array<i32>} : memref<128x128xf32, #tpu.memory_space<vmem>>, vector<1x16xf32>,
      %swap3A_48 = vector.shape_cast %swap3A_47 : vector<1x16xf32> to vector<16xf32>
      %swap3A_49 = vector.shape_cast %broadcast_in_dim3A_1 : vector<16xf32> to vector<1x16xf32>
      tpu.vector_store %arg8[%swap3A_45, %swap3A_46], %swap3A_49 {strides = array<i32>} : memref<128x128xf32, #tpu.memory_space<vmem>>, vector<1x16xf32>,
      %swap3A_50 = arith.index_cast %add3A_40 : i32 to index
      %swap3A_51 = arith.constant 32 : index
      %swap3A_52 = tpu.vector_load %arg8[%swap3A_50, %swap3A_51] {strides = array<i32>} : memref<128x128xf32, #tpu.memory_space<vmem>>, vector<1x16xf32>,
      %swap3A_53 = vector.shape_cast %swap3A_52 : vector<1x16xf32> to vector<16xf32>
      %swap3A_54 = vector.shape_cast %broadcast_in_dim3A_1 : vector<16xf32> to vector<1x16xf32>
      tpu.vector_store %arg8[%swap3A_50, %swap3A_51], %swap3A_54 {strides = array<i32>} : memref<128x128xf32, #tpu.memory_space<vmem>>, vector<1x16xf32>,
      %swap3A_55 = arith.index_cast %add3A_40 : i32 to index
      %swap3A_56 = arith.constant 48 : index
      %swap3A_57 = tpu.vector_load %arg8[%swap3A_55, %swap3A_56] {strides = array<i32>} : memref<128x128xf32, #tpu.memory_space<vmem>>, vector<1x16xf32>,
      %swap3A_58 = vector.shape_cast %swap3A_57 : vector<1x16xf32> to vector<16xf32>
      %swap3A_59 = vector.shape_cast %broadcast_in_dim3A_1 : vector<16xf32> to vector<1x16xf32>
      tpu.vector_store %arg8[%swap3A_55, %swap3A_56], %swap3A_59 {strides = array<i32>} : memref<128x128xf32, #tpu.memory_space<vmem>>, vector<1x16xf32>,
      %swap3A_60 = arith.index_cast %add3A_40 : i32 to index
      %swap3A_61 = arith.constant 64 : index
      %swap3A_62 = tpu.vector_load %arg8[%swap3A_60, %swap3A_61] {strides = array<i32>} : memref<128x128xf32, #tpu.memory_space<vmem>>, vector<1x16xf32>,
      %swap3A_63 = vector.shape_cast %swap3A_62 : vector<1x16xf32> to vector<16xf32>
      %swap3A_64 = vector.shape_cast %broadcast_in_dim3A_1 : vector<16xf32> to vector<1x16xf32>
      tpu.vector_store %arg8[%swap3A_60, %swap3A_61], %swap3A_64 {strides = array<i32>} : memref<128x128xf32, #tpu.memory_space<vmem>>, vector<1x16xf32>,
      %swap3A_65 = arith.index_cast %add3A_40 : i32 to index
      %swap3A_66 = arith.constant 80 : index
      %swap3A_67 = tpu.vector_load %arg8[%swap3A_65, %swap3A_66] {strides = array<i32>} : memref<128x128xf32, #tpu.memory_space<vmem>>, vector<1x16xf32>,
      %swap3A_68 = vector.shape_cast %swap3A_67 : vector<1x16xf32> to vector<16xf32>
      %swap3A_69 = vector.shape_cast %broadcast_in_dim3A_1 : vector<16xf32> to vector<1x16xf32>
      tpu.vector_store %arg8[%swap3A_65, %swap3A_66], %swap3A_69 {strides = array<i32>} : memref<128x128xf32, #tpu.memory_space<vmem>>, vector<1x16xf32>,
      %swap3A_70 = arith.index_cast %add3A_40 : i32 to index
      %swap3A_71 = arith.constant 96 : index
      %swap3A_72 = tpu.vector_load %arg8[%swap3A_70, %swap3A_71] {strides = array<i32>} : memref<128x128xf32, #tpu.memory_space<vmem>>, vector<1x16xf32>,
      %swap3A_73 = vector.shape_cast %swap3A_72 : vector<1x16xf32> to vector<16xf32>
      %swap3A_74 = vector.shape_cast %broadcast_in_dim3A_1 : vector<16xf32> to vector<1x16xf32>
      tpu.vector_store %arg8[%swap3A_70, %swap3A_71], %swap3A_74 {strides = array<i32>} : memref<128x128xf32, #tpu.memory_space<vmem>>, vector<1x16xf32>,
      %swap3A_75 = arith.index_cast %add3A_40 : i32 to index
      %swap3A_76 = arith.constant 112 : index
      %swap3A_77 = tpu.vector_load %arg8[%swap3A_75, %swap3A_76] {strides = array<i32>} : memref<128x128xf32, #tpu.memory_space<vmem>>, vector<1x16xf32>,
      %swap3A_78 = vector.shape_cast %swap3A_77 : vector<1x16xf32> to vector<16xf32>
      %swap3A_79 = vector.shape_cast %broadcast_in_dim3A_1 : vector<16xf32> to vector<1x16xf32>
      tpu.vector_store %arg8[%swap3A_75, %swap3A_76], %swap3A_79 {strides = array<i32>} : memref<128x128xf32, #tpu.memory_space<vmem>>, vector<1x16xf32>,
    }
    %scan3A_5 = arith.constant 128 : i32
    "tpu.region"() ({
      %run_scoped3A = tpu.sem_alloc : memref<!tpu.dma_semaphore, #tpu.memory_space<semaphore_mem>>
      %dma_start3A = arith.constant 0 : i32
      %dma_start3A_36 = arith.constant 0 : i32
      %dma_start3A_37 = tpu.memref_slice %arg3[%add3A, %dma_start3A, %dma_start3A_36] : memref<32x79x128xi32, #tpu.memory_space<hbm>> -> memref<1x79x128xi32, #tpu.memory_space<hbm>>
      %dma_start3A_38 = tpu.memref_squeeze %dma_start3A_37 : memref<1x79x128xi32, #tpu.memory_space<hbm>> -> memref<79x128xi32, #tpu.memory_space<hbm>>
      %dma_start3A_39 = arith.constant 0 : i32
      %dma_start3A_40 = arith.constant 0 : i32
      %dma_start3A_41 = tpu.memref_slice %arg3[%add3A, %dma_start3A_39, %dma_start3A_40] : memref<32x79x128xi32, #tpu.memory_space<hbm>> -> memref<1x79x128xi32, #tpu.memory_space<hbm>>
      %dma_start3A_42 = tpu.memref_squeeze %dma_start3A_41 : memref<1x79x128xi32, #tpu.memory_space<hbm>> -> memref<79x128xi32, #tpu.memory_space<hbm>>
      tpu.enqueue_dma source(%dma_start3A_42 : memref<79x128xi32, #tpu.memory_space<hbm>>) target(%arg6 : memref<79x128xi32, #tpu.memory_space<vmem>>) target_semaphore(%run_scoped3A : memref<!tpu.dma_semaphore, #tpu.memory_space<semaphore_mem>>)
      %dma_wait3A = arith.constant 0 : i32
      %dma_wait3A_43 = arith.constant 0 : i32
      %dma_wait3A_44 = tpu.memref_slice %arg3[%add3A, %dma_wait3A, %dma_wait3A_43] : memref<32x79x128xi32, #tpu.memory_space<hbm>> -> memref<1x79x128xi32, #tpu.memory_space<hbm>>
      %dma_wait3A_45 = tpu.memref_squeeze %dma_wait3A_44 : memref<1x79x128xi32, #tpu.memory_space<hbm>> -> memref<79x128xi32, #tpu.memory_space<hbm>>
      %dma_wait3A_46 = arith.constant 0 : i32
      %dma_wait3A_47 = arith.constant 0 : i32
      %dma_wait3A_48 = tpu.memref_slice %arg3[%add3A, %dma_wait3A_46, %dma_wait3A_47] : memref<32x79x128xi32, #tpu.memory_space<hbm>> -> memref<1x79x128xi32, #tpu.memory_space<hbm>>
      %dma_wait3A_49 = tpu.memref_squeeze %dma_wait3A_48 : memref<1x79x128xi32, #tpu.memory_space<hbm>> -> memref<79x128xi32, #tpu.memory_space<hbm>>
      tpu.wait_dma2 semaphore(%run_scoped3A : memref<!tpu.dma_semaphore, #tpu.memory_space<semaphore_mem>>) src(%dma_wait3A_49 : memref<79x128xi32, #tpu.memory_space<hbm>>) dst(%arg6 : memref<79x128xi32, #tpu.memory_space<vmem>>)
      tpu.yield
    }) : () -> ()
    "tpu.region"() ({
      %run_scoped3A = tpu.sem_alloc : memref<!tpu.dma_semaphore, #tpu.memory_space<semaphore_mem>>
      %dma_start3A = arith.constant 0 : i32
      %dma_start3A_36 = arith.constant 0 : i32
      %dma_start3A_37 = tpu.memref_slice %arg4[%add3A, %dma_start3A, %dma_start3A_36] : memref<32x79x128xi32, #tpu.memory_space<hbm>> -> memref<1x79x128xi32, #tpu.memory_space<hbm>>
      %dma_start3A_38 = tpu.memref_squeeze %dma_start3A_37 : memref<1x79x128xi32, #tpu.memory_space<hbm>> -> memref<79x128xi32, #tpu.memory_space<hbm>>
      %dma_start3A_39 = arith.constant 0 : i32
      %dma_start3A_40 = arith.constant 0 : i32
      %dma_start3A_41 = tpu.memref_slice %arg4[%add3A, %dma_start3A_39, %dma_start3A_40] : memref<32x79x128xi32, #tpu.memory_space<hbm>> -> memref<1x79x128xi32, #tpu.memory_space<hbm>>
      %dma_start3A_42 = tpu.memref_squeeze %dma_start3A_41 : memref<1x79x128xi32, #tpu.memory_space<hbm>> -> memref<79x128xi32, #tpu.memory_space<hbm>>
      tpu.enqueue_dma source(%dma_start3A_42 : memref<79x128xi32, #tpu.memory_space<hbm>>) target(%arg7 : memref<79x128xi32, #tpu.memory_space<vmem>>) target_semaphore(%run_scoped3A : memref<!tpu.dma_semaphore, #tpu.memory_space<semaphore_mem>>)
      %dma_wait3A = arith.constant 0 : i32
      %dma_wait3A_43 = arith.constant 0 : i32
      %dma_wait3A_44 = tpu.memref_slice %arg4[%add3A, %dma_wait3A, %dma_wait3A_43] : memref<32x79x128xi32, #tpu.memory_space<hbm>> -> memref<1x79x128xi32, #tpu.memory_space<hbm>>
      %dma_wait3A_45 = tpu.memref_squeeze %dma_wait3A_44 : memref<1x79x128xi32, #tpu.memory_space<hbm>> -> memref<79x128xi32, #tpu.memory_space<hbm>>
      %dma_wait3A_46 = arith.constant 0 : i32
      %dma_wait3A_47 = arith.constant 0 : i32
      %dma_wait3A_48 = tpu.memref_slice %arg4[%add3A, %dma_wait3A_46, %dma_wait3A_47] : memref<32x79x128xi32, #tpu.memory_space<hbm>> -> memref<1x79x128xi32, #tpu.memory_space<hbm>>
      %dma_wait3A_49 = tpu.memref_squeeze %dma_wait3A_48 : memref<1x79x128xi32, #tpu.memory_space<hbm>> -> memref<79x128xi32, #tpu.memory_space<hbm>>
      tpu.wait_dma2 semaphore(%run_scoped3A : memref<!tpu.dma_semaphore, #tpu.memory_space<semaphore_mem>>) src(%dma_wait3A_49 : memref<79x128xi32, #tpu.memory_space<hbm>>) dst(%arg7 : memref<79x128xi32, #tpu.memory_space<vmem>>)
      tpu.yield
    }) : () -> ()
    %mul3A_6 = arith.constant 640 : i32
    %mul3A_7 = arith.muli %arg1, %mul3A_6 : i32
    %add3A_8 = arith.constant 0 : i32
    %add3A_9 = arith.addi %mul3A_7, %add3A_8 : i32
    "tpu.region"() ({
      %run_scoped3A = tpu.sem_alloc : memref<!tpu.dma_semaphore, #tpu.memory_space<semaphore_mem>>
      %dma_start3A = arith.constant 0 : i32
      %dma_start3A_36 = tpu.memref_slice %arg9[%add3A_9, %dma_start3A] : memref<10240x128xf32, #tpu.memory_space<vmem_shared>> -> memref<128x128xf32, #tpu.memory_space<vmem_shared>>
      %dma_start3A_37 = arith.constant 0 : i32
      %dma_start3A_38 = tpu.memref_slice %arg9[%add3A_9, %dma_start3A_37] : memref<10240x128xf32, #tpu.memory_space<vmem_shared>> -> memref<128x128xf32, #tpu.memory_space<vmem_shared>>
      tpu.enqueue_dma source(%arg8 : memref<128x128xf32, #tpu.memory_space<vmem>>) target(%dma_start3A_38 : memref<128x128xf32, #tpu.memory_space<vmem_shared>>) target_semaphore(%run_scoped3A : memref<!tpu.dma_semaphore, #tpu.memory_space<semaphore_mem>>)
      %dma_wait3A = arith.constant 0 : i32
      %dma_wait3A_39 = tpu.memref_slice %arg9[%add3A_9, %dma_wait3A] : memref<10240x128xf32, #tpu.memory_space<vmem_shared>> -> memref<128x128xf32, #tpu.memory_space<vmem_shared>>
      %dma_wait3A_40 = arith.constant 0 : i32
      %dma_wait3A_41 = tpu.memref_slice %arg9[%add3A_9, %dma_wait3A_40] : memref<10240x128xf32, #tpu.memory_space<vmem_shared>> -> memref<128x128xf32, #tpu.memory_space<vmem_shared>>
      tpu.wait_dma2 semaphore(%run_scoped3A : memref<!tpu.dma_semaphore, #tpu.memory_space<semaphore_mem>>) src(%arg8 : memref<128x128xf32, #tpu.memory_space<vmem>>) dst(%dma_wait3A_41 : memref<128x128xf32, #tpu.memory_space<vmem_shared>>)
      tpu.yield
    }) : () -> ()
    %mul3A_10 = arith.constant 640 : i32
    %mul3A_11 = arith.muli %arg1, %mul3A_10 : i32
    %add3A_12 = arith.constant 128 : i32
    %add3A_13 = arith.addi %mul3A_11, %add3A_12 : i32
    "tpu.region"() ({
      %run_scoped3A = tpu.sem_alloc : memref<!tpu.dma_semaphore, #tpu.memory_space<semaphore_mem>>
      %dma_start3A = arith.constant 0 : i32
      %dma_start3A_36 = tpu.memref_slice %arg9[%add3A_13, %dma_start3A] : memref<10240x128xf32, #tpu.memory_space<vmem_shared>> -> memref<128x128xf32, #tpu.memory_space<vmem_shared>>
      %dma_start3A_37 = arith.constant 0 : i32
      %dma_start3A_38 = tpu.memref_slice %arg9[%add3A_13, %dma_start3A_37] : memref<10240x128xf32, #tpu.memory_space<vmem_shared>> -> memref<128x128xf32, #tpu.memory_space<vmem_shared>>
      tpu.enqueue_dma source(%arg8 : memref<128x128xf32, #tpu.memory_space<vmem>>) target(%dma_start3A_38 : memref<128x128xf32, #tpu.memory_space<vmem_shared>>) target_semaphore(%run_scoped3A : memref<!tpu.dma_semaphore, #tpu.memory_space<semaphore_mem>>)
      %dma_wait3A = arith.constant 0 : i32
      %dma_wait3A_39 = tpu.memref_slice %arg9[%add3A_13, %dma_wait3A] : memref<10240x128xf32, #tpu.memory_space<vmem_shared>> -> memref<128x128xf32, #tpu.memory_space<vmem_shared>>
      %dma_wait3A_40 = arith.constant 0 : i32
      %dma_wait3A_41 = tpu.memref_slice %arg9[%add3A_13, %dma_wait3A_40] : memref<10240x128xf32, #tpu.memory_space<vmem_shared>> -> memref<128x128xf32, #tpu.memory_space<vmem_shared>>
      tpu.wait_dma2 semaphore(%run_scoped3A : memref<!tpu.dma_semaphore, #tpu.memory_space<semaphore_mem>>) src(%arg8 : memref<128x128xf32, #tpu.memory_space<vmem>>) dst(%dma_wait3A_41 : memref<128x128xf32, #tpu.memory_space<vmem_shared>>)
      tpu.yield
    }) : () -> ()
    %mul3A_14 = arith.constant 640 : i32
    %mul3A_15 = arith.muli %arg1, %mul3A_14 : i32
    %add3A_16 = arith.constant 256 : i32
    %add3A_17 = arith.addi %mul3A_15, %add3A_16 : i32
    "tpu.region"() ({
      %run_scoped3A = tpu.sem_alloc : memref<!tpu.dma_semaphore, #tpu.memory_space<semaphore_mem>>
      %dma_start3A = arith.constant 0 : i32
      %dma_start3A_36 = tpu.memref_slice %arg9[%add3A_17, %dma_start3A] : memref<10240x128xf32, #tpu.memory_space<vmem_shared>> -> memref<128x128xf32, #tpu.memory_space<vmem_shared>>
      %dma_start3A_37 = arith.constant 0 : i32
      %dma_start3A_38 = tpu.memref_slice %arg9[%add3A_17, %dma_start3A_37] : memref<10240x128xf32, #tpu.memory_space<vmem_shared>> -> memref<128x128xf32, #tpu.memory_space<vmem_shared>>
      tpu.enqueue_dma source(%arg8 : memref<128x128xf32, #tpu.memory_space<vmem>>) target(%dma_start3A_38 : memref<128x128xf32, #tpu.memory_space<vmem_shared>>) target_semaphore(%run_scoped3A : memref<!tpu.dma_semaphore, #tpu.memory_space<semaphore_mem>>)
      %dma_wait3A = arith.constant 0 : i32
      %dma_wait3A_39 = tpu.memref_slice %arg9[%add3A_17, %dma_wait3A] : memref<10240x128xf32, #tpu.memory_space<vmem_shared>> -> memref<128x128xf32, #tpu.memory_space<vmem_shared>>
      %dma_wait3A_40 = arith.constant 0 : i32
      %dma_wait3A_41 = tpu.memref_slice %arg9[%add3A_17, %dma_wait3A_40] : memref<10240x128xf32, #tpu.memory_space<vmem_shared>> -> memref<128x128xf32, #tpu.memory_space<vmem_shared>>
      tpu.wait_dma2 semaphore(%run_scoped3A : memref<!tpu.dma_semaphore, #tpu.memory_space<semaphore_mem>>) src(%arg8 : memref<128x128xf32, #tpu.memory_space<vmem>>) dst(%dma_wait3A_41 : memref<128x128xf32, #tpu.memory_space<vmem_shared>>)
      tpu.yield
    }) : () -> ()
    %mul3A_18 = arith.constant 640 : i32
    %mul3A_19 = arith.muli %arg1, %mul3A_18 : i32
    %add3A_20 = arith.constant 384 : i32
    %add3A_21 = arith.addi %mul3A_19, %add3A_20 : i32
    "tpu.region"() ({
      %run_scoped3A = tpu.sem_alloc : memref<!tpu.dma_semaphore, #tpu.memory_space<semaphore_mem>>
      %dma_start3A = arith.constant 0 : i32
      %dma_start3A_36 = tpu.memref_slice %arg9[%add3A_21, %dma_start3A] : memref<10240x128xf32, #tpu.memory_space<vmem_shared>> -> memref<128x128xf32, #tpu.memory_space<vmem_shared>>
      %dma_start3A_37 = arith.constant 0 : i32
      %dma_start3A_38 = tpu.memref_slice %arg9[%add3A_21, %dma_start3A_37] : memref<10240x128xf32, #tpu.memory_space<vmem_shared>> -> memref<128x128xf32, #tpu.memory_space<vmem_shared>>
      tpu.enqueue_dma source(%arg8 : memref<128x128xf32, #tpu.memory_space<vmem>>) target(%dma_start3A_38 : memref<128x128xf32, #tpu.memory_space<vmem_shared>>) target_semaphore(%run_scoped3A : memref<!tpu.dma_semaphore, #tpu.memory_space<semaphore_mem>>)
      %dma_wait3A = arith.constant 0 : i32
      %dma_wait3A_39 = tpu.memref_slice %arg9[%add3A_21, %dma_wait3A] : memref<10240x128xf32, #tpu.memory_space<vmem_shared>> -> memref<128x128xf32, #tpu.memory_space<vmem_shared>>
      %dma_wait3A_40 = arith.constant 0 : i32
      %dma_wait3A_41 = tpu.memref_slice %arg9[%add3A_21, %dma_wait3A_40] : memref<10240x128xf32, #tpu.memory_space<vmem_shared>> -> memref<128x128xf32, #tpu.memory_space<vmem_shared>>
      tpu.wait_dma2 semaphore(%run_scoped3A : memref<!tpu.dma_semaphore, #tpu.memory_space<semaphore_mem>>) src(%arg8 : memref<128x128xf32, #tpu.memory_space<vmem>>) dst(%dma_wait3A_41 : memref<128x128xf32, #tpu.memory_space<vmem_shared>>)
      tpu.yield
    }) : () -> ()
    %mul3A_22 = arith.constant 640 : i32
    %mul3A_23 = arith.muli %arg1, %mul3A_22 : i32
    %add3A_24 = arith.constant 512 : i32
    %add3A_25 = arith.addi %mul3A_23, %add3A_24 : i32
    "tpu.region"() ({
      %run_scoped3A = tpu.sem_alloc : memref<!tpu.dma_semaphore, #tpu.memory_space<semaphore_mem>>
      %dma_start3A = arith.constant 0 : i32
      %dma_start3A_36 = tpu.memref_slice %arg9[%add3A_25, %dma_start3A] : memref<10240x128xf32, #tpu.memory_space<vmem_shared>> -> memref<128x128xf32, #tpu.memory_space<vmem_shared>>
      %dma_start3A_37 = arith.constant 0 : i32
      %dma_start3A_38 = tpu.memref_slice %arg9[%add3A_25, %dma_start3A_37] : memref<10240x128xf32, #tpu.memory_space<vmem_shared>> -> memref<128x128xf32, #tpu.memory_space<vmem_shared>>
      tpu.enqueue_dma source(%arg8 : memref<128x128xf32, #tpu.memory_space<vmem>>) target(%dma_start3A_38 : memref<128x128xf32, #tpu.memory_space<vmem_shared>>) target_semaphore(%run_scoped3A : memref<!tpu.dma_semaphore, #tpu.memory_space<semaphore_mem>>)
      %dma_wait3A = arith.constant 0 : i32
      %dma_wait3A_39 = tpu.memref_slice %arg9[%add3A_25, %dma_wait3A] : memref<10240x128xf32, #tpu.memory_space<vmem_shared>> -> memref<128x128xf32, #tpu.memory_space<vmem_shared>>
      %dma_wait3A_40 = arith.constant 0 : i32
      %dma_wait3A_41 = tpu.memref_slice %arg9[%add3A_25, %dma_wait3A_40] : memref<10240x128xf32, #tpu.memory_space<vmem_shared>> -> memref<128x128xf32, #tpu.memory_space<vmem_shared>>
      tpu.wait_dma2 semaphore(%run_scoped3A : memref<!tpu.dma_semaphore, #tpu.memory_space<semaphore_mem>>) src(%arg8 : memref<128x128xf32, #tpu.memory_space<vmem>>) dst(%dma_wait3A_41 : memref<128x128xf32, #tpu.memory_space<vmem_shared>>)
      tpu.yield
    }) : () -> ()
    %barrier3A = arith.constant 0 : index
    tpu.barrier barrier_id(%barrier3A)
    %scan3A_26 = arith.constant 0 : i32
    %scan3A_27 = arith.constant 79 : i32
    %scan3A_28 = arith.addi %scan3A_26, %scan3A_27 : i32
    %scan3A_29 = arith.constant 1 : i32
    scf.for %scan3A_36 = %scan3A_26 to %scan3A_28 step %scan3A_29  : i32 {
      %mul3A_37 = arith.constant 1 : i32
      %mul3A_38 = arith.muli %scan3A_36, %mul3A_37 : i32
      %add3A_39 = arith.constant 0 : i32
      %add3A_40 = arith.addi %add3A_39, %mul3A_38 : i32
      %dma_start3A = arith.constant 0 : i32
      %dma_start3A_41 = tpu.memref_slice %arg6[%add3A_40, %dma_start3A] : memref<79x128xi32, #tpu.memory_space<vmem>> -> memref<1x128xi32, #tpu.memory_space<vmem>>
      %dma_start3A_42 = tpu.memref_squeeze %dma_start3A_41 : memref<1x128xi32, #tpu.memory_space<vmem>> -> memref<128xi32, #tpu.memory_space<vmem>>
      %dma_start3A_43 = arith.constant 0 : i32
      %dma_start3A_44 = arith.constant 0 : i32
      %dma_start3A_45 = tpu.memref_slice %arg2[%dma_start3A_43, %dma_start3A_44] : memref<10240x128xf32, #tpu.memory_space<hbm>> -> memref<10240x128xf32, #tpu.memory_space<hbm>>
      tpu.enqueue_indirect_dma source(%dma_start3A_45 : memref<10240x128xf32, #tpu.memory_space<hbm>>) target(%arg8 : memref<128x128xf32, #tpu.memory_space<vmem>>) offsets(%dma_start3A_42 : memref<128xi32, #tpu.memory_space<vmem>>) semaphore(%arg10 : memref<!tpu.dma_semaphore, #tpu.memory_space<semaphore_mem>>)
      %dma_wait3A = arith.constant 0 : i32
      %dma_wait3A_46 = tpu.memref_slice %arg6[%add3A_40, %dma_wait3A] : memref<79x128xi32, #tpu.memory_space<vmem>> -> memref<1x128xi32, #tpu.memory_space<vmem>>
      %dma_wait3A_47 = tpu.memref_squeeze %dma_wait3A_46 : memref<1x128xi32, #tpu.memory_space<vmem>> -> memref<128xi32, #tpu.memory_space<vmem>>
      %dma_wait3A_48 = arith.constant 0 : i32
      %dma_wait3A_49 = arith.constant 0 : i32
      %dma_wait3A_50 = tpu.memref_slice %arg2[%dma_wait3A_48, %dma_wait3A_49] : memref<10240x128xf32, #tpu.memory_space<hbm>> -> memref<10240x128xf32, #tpu.memory_space<hbm>>
      tpu.wait_indirect_dma semaphore(%arg10 : memref<!tpu.dma_semaphore, #tpu.memory_space<semaphore_mem>>) src(%dma_wait3A_50 : memref<10240x128xf32, #tpu.memory_space<hbm>>) dst(%arg8 : memref<128x128xf32, #tpu.memory_space<vmem>>)
      "tpu.region"() ({
        %run_scoped3A = tpu.sem_alloc : memref<!tpu.dma_semaphore, #tpu.memory_space<semaphore_mem>>
        %dma_start3A_51 = arith.constant 0 : i32
        %dma_start3A_52 = tpu.memref_slice %arg7[%add3A_40, %dma_start3A_51] : memref<79x128xi32, #tpu.memory_space<vmem>> -> memref<1x128xi32, #tpu.memory_space<vmem>>
        %dma_start3A_53 = tpu.memref_squeeze %dma_start3A_52 : memref<1x128xi32, #tpu.memory_space<vmem>> -> memref<128xi32, #tpu.memory_space<vmem>>
        %dma_start3A_54 = arith.constant 0 : i32
        %dma_start3A_55 = arith.constant 0 : i32
        %dma_start3A_56 = tpu.memref_slice %arg9[%dma_start3A_54, %dma_start3A_55] : memref<10240x128xf32, #tpu.memory_space<vmem_shared>> -> memref<10240x128xf32, #tpu.memory_space<vmem_shared>>
        tpu.enqueue_indirect_dma source(%arg8 : memref<128x128xf32, #tpu.memory_space<vmem>>) target(%dma_start3A_56 : memref<10240x128xf32, #tpu.memory_space<vmem_shared>>) offsets(%dma_start3A_53 : memref<128xi32, #tpu.memory_space<vmem>>) semaphore(%run_scoped3A : memref<!tpu.dma_semaphore, #tpu.memory_space<semaphore_mem>>) {add = true}
        %dma_wait3A_57 = arith.constant 0 : i32
        %dma_wait3A_58 = tpu.memref_slice %arg7[%add3A_40, %dma_wait3A_57] : memref<79x128xi32, #tpu.memory_space<vmem>> -> memref<1x128xi32, #tpu.memory_space<vmem>>
        %dma_wait3A_59 = tpu.memref_squeeze %dma_wait3A_58 : memref<1x128xi32, #tpu.memory_space<vmem>> -> memref<128xi32, #tpu.memory_space<vmem>>
        %dma_wait3A_60 = arith.constant 0 : i32
        %dma_wait3A_61 = arith.constant 0 : i32
        %dma_wait3A_62 = tpu.memref_slice %arg9[%dma_wait3A_60, %dma_wait3A_61] : memref<10240x128xf32, #tpu.memory_space<vmem_shared>> -> memref<10240x128xf32, #tpu.memory_space<vmem_shared>>
        tpu.wait_indirect_dma semaphore(%run_scoped3A : memref<!tpu.dma_semaphore, #tpu.memory_space<semaphore_mem>>) src(%arg8 : memref<128x128xf32, #tpu.memory_space<vmem>>) dst(%dma_wait3A_62 : memref<10240x128xf32, #tpu.memory_space<vmem_shared>>)
        tpu.yield
      }) : () -> ()
    }
    %scan3A_30 = arith.constant 79 : i32
    %barrier3A_31 = arith.constant 0 : index
    tpu.barrier barrier_id(%barrier3A_31)
    %mul3A_32 = arith.constant 640 : i32
    %mul3A_33 = arith.muli %arg1, %mul3A_32 : i32
    %mul3A_34 = arith.constant 640 : i32
    %mul3A_35 = arith.muli %arg1, %mul3A_34 : i32
    "tpu.region"() ({
      %run_scoped3A = tpu.sem_alloc : memref<!tpu.dma_semaphore, #tpu.memory_space<semaphore_mem>>
      %dma_start3A = arith.constant 0 : i32
      %dma_start3A_36 = arith.constant 0 : i32
      %dma_start3A_37 = tpu.memref_slice %arg5[%arg0, %dma_start3A, %dma_start3A_36] : memref<2x10240x128xf32, #tpu.memory_space<hbm>> -> memref<1x10240x128xf32, #tpu.memory_space<hbm>>
      %dma_start3A_38 = tpu.memref_squeeze %dma_start3A_37 : memref<1x10240x128xf32, #tpu.memory_space<hbm>> -> memref<10240x128xf32, #tpu.memory_space<hbm>>
      %dma_start3A_39 = arith.constant 0 : i32
      %dma_start3A_40 = tpu.memref_slice %dma_start3A_38[%mul3A_35, %dma_start3A_39] : memref<10240x128xf32, #tpu.memory_space<hbm>> -> memref<640x128xf32, #tpu.memory_space<hbm>>
      %dma_start3A_41 = arith.constant 0 : i32
      %dma_start3A_42 = tpu.memref_slice %arg9[%mul3A_33, %dma_start3A_41] : memref<10240x128xf32, #tpu.memory_space<vmem_shared>> -> memref<640x128xf32, #tpu.memory_space<vmem_shared>>
      tpu.enqueue_dma source(%dma_start3A_42 : memref<640x128xf32, #tpu.memory_space<vmem_shared>>) target(%dma_start3A_40 : memref<640x128xf32, #tpu.memory_space<hbm>>) target_semaphore(%run_scoped3A : memref<!tpu.dma_semaphore, #tpu.memory_space<semaphore_mem>>)
      %dma_wait3A = arith.constant 0 : i32
      %dma_wait3A_43 = arith.constant 0 : i32
      %dma_wait3A_44 = tpu.memref_slice %arg5[%arg0, %dma_wait3A, %dma_wait3A_43] : memref<2x10240x128xf32, #tpu.memory_space<hbm>> -> memref<1x10240x128xf32, #tpu.memory_space<hbm>>
      %dma_wait3A_45 = tpu.memref_squeeze %dma_wait3A_44 : memref<1x10240x128xf32, #tpu.memory_space<hbm>> -> memref<10240x128xf32, #tpu.memory_space<hbm>>
      %dma_wait3A_46 = arith.constant 0 : i32
      %dma_wait3A_47 = tpu.memref_slice %dma_wait3A_45[%mul3A_35, %dma_wait3A_46] : memref<10240x128xf32, #tpu.memory_space<hbm>> -> memref<640x128xf32, #tpu.memory_space<hbm>>
      %dma_wait3A_48 = arith.constant 0 : i32
      %dma_wait3A_49 = tpu.memref_slice %arg9[%mul3A_33, %dma_wait3A_48] : memref<10240x128xf32, #tpu.memory_space<vmem_shared>> -> memref<640x128xf32, #tpu.memory_space<vmem_shared>>
      tpu.wait_dma2 semaphore(%run_scoped3A : memref<!tpu.dma_semaphore, #tpu.memory_space<semaphore_mem>>) src(%dma_wait3A_49 : memref<640x128xf32, #tpu.memory_space<vmem_shared>>) dst(%dma_wait3A_47 : memref<640x128xf32, #tpu.memory_space<hbm>>)
      tpu.yield
    }) : () -> ()
    return
  }
}

module attributes {stable_mosaic.version = 14 : i64} {
  func.func @body(%arg0: i32, %arg1: memref<512x128xf32, #tpu.memory_space<vmem>>, %arg2: memref<128x128xf32, #tpu.memory_space<vmem>>, %arg3: memref<32x512xf32, #tpu.memory_space<vmem>>, %arg4: memref<512x128xf32, #tpu.memory_space<vmem>>) attributes {dimension_semantics = [#tpu.dimension_semantics<arbitrary>], iteration_bounds = array<i64: 20>, scalar_prefetch = 0 : i64, scratch_operands = 0 : i64, tpu.core_type = #tpu.core_type<tc>, window_params = [{transform_indices = @transform_0, window_bounds = array<i64: 512, 128>}, {pipeline_mode = #tpu.pipeline_mode<synchronous>, transform_indices = @transform_1, window_bounds = array<i64: 128, 128>}, {transform_indices = @transform_2, window_bounds = array<i64: 32, 512>}, {transform_indices = @transform_3, window_bounds = array<i64: 512, 128>}]} {
    %get3A = arith.constant 0 : index
    %get3A_0 = arith.constant 0 : index
    %get3A_1 = vector.load %arg3[%get3A, %get3A_0] : memref<32x512xf32, #tpu.memory_space<vmem>>, vector<32x512xf32>
    %reduce_sum3A = arith.constant dense<0.000000e+00> : vector<512xf32>
    %reduce_sum3A_2 = vector.multi_reduction <add>, %get3A_1, %reduce_sum3A [0] : vector<32x512xf32> to vector<512xf32>
    %gt3A = arith.constant 0.000000e+00 : f32
    %gt3A_3 = vector.broadcast %gt3A : f32 to vector<512xf32>
    %gt3A_4 = arith.cmpf ogt, %reduce_sum3A_2, %gt3A_3 : vector<512xf32>
    %max3A = arith.constant 9.99999996E-13 : f32
    %max3A_5 = vector.broadcast %max3A : f32 to vector<512xf32>
    %max3A_6 = arith.maximumf %reduce_sum3A_2, %max3A_5 : vector<512xf32>
    %rsqrt3A = math.rsqrt %max3A_6 : vector<512xf32>
    %jit3A = arith.constant 0.000000e+00 : f32
    %broadcast_in_dim3A = vector.broadcast %jit3A : f32 to vector<512xf32>
    %select_n3A = arith.select %gt3A_4, %rsqrt3A, %broadcast_in_dim3A : vector<512xi1>, vector<512xf32>
    %broadcast_in_dim3A_7 = vector.shape_cast %select_n3A : vector<512xf32> to vector<512x1xf32>
    %get3A_8 = arith.constant 0 : index
    %get3A_9 = arith.constant 0 : index
    %get3A_10 = vector.load %arg1[%get3A_8, %get3A_9] : memref<512x128xf32, #tpu.memory_space<vmem>>, vector<512x128xf32>
    %get3A_11 = arith.constant 0 : index
    %get3A_12 = arith.constant 0 : index
    %get3A_13 = vector.load %arg2[%get3A_11, %get3A_12] : memref<128x128xf32, #tpu.memory_space<vmem>>, vector<128x128xf32>
    %dot_general3A = arith.constant dense<0.000000e+00> : vector<512x128xf32>
    %dot_general3A_14 = tpu.matmul %get3A_10, %get3A_13, %dot_general3A {dimension_numbers = #tpu.dot_dimension_numbers<[1], [0], [0], [1], [0, 0, 1, 1], [], []>, transpose_lhs_hint = false} : vector<512x128xf32>, vector<128x128xf32>, vector<512x128xf32> -> vector<512x128xf32>
    %mul3A = vector.broadcast %broadcast_in_dim3A_7 : vector<512x1xf32> to vector<512x128xf32>
    %mul3A_15 = arith.mulf %dot_general3A_14, %mul3A : vector<512x128xf32>
    %swap3A = arith.constant 0 : index
    %swap3A_16 = arith.constant 0 : index
    %swap3A_17 = vector.load %arg4[%swap3A, %swap3A_16] : memref<512x128xf32, #tpu.memory_space<vmem>>, vector<512x128xf32>
    tpu.vector_store %arg4[%swap3A, %swap3A_16], %mul3A_15 {strides = array<i32>} : memref<512x128xf32, #tpu.memory_space<vmem>>, vector<512x128xf32>,
    return
  }
  func.func @transform_0(%arg0: i32) -> (i32, i32) {
    %c0_i32 = arith.constant 0 : i32
    %c0_i32_0 = arith.constant 0 : i32
    return %arg0, %c0_i32 : i32, i32
  }
  func.func @transform_1(%arg0: i32) -> (i32, i32) {
    %c0_i32 = arith.constant 0 : i32
    %c0_i32_0 = arith.constant 0 : i32
    %c0_i32_1 = arith.constant 0 : i32
    return %c0_i32, %c0_i32_0 : i32, i32
  }
  func.func @transform_2(%arg0: i32) -> (i32, i32) {
    %c0_i32 = arith.constant 0 : i32
    %c0_i32_0 = arith.constant 0 : i32
    return %c0_i32, %arg0 : i32, i32
  }
  func.func @transform_3(%arg0: i32) -> (i32, i32) {
    %c0_i32 = arith.constant 0 : i32
    %c0_i32_0 = arith.constant 0 : i32
    return %arg0, %c0_i32 : i32, i32
  }
}

module attributes {stable_mosaic.version = 14 : i64} {
  func.func @body(%arg0: i32, %arg1: memref<2x512x128xf32, #tpu.memory_space<vmem>>, %arg2: memref<32x512xf32, #tpu.memory_space<vmem>>, %arg3: memref<1x128xf32, #tpu.memory_space<vmem>>, %arg4: memref<128x128xf32, #tpu.memory_space<vmem>>, %arg5: memref<512x128xf32, #tpu.memory_space<vmem>>) attributes {dimension_semantics = [#tpu.dimension_semantics<arbitrary>], iteration_bounds = array<i64: 20>, scalar_prefetch = 0 : i64, scratch_operands = 0 : i64, tpu.core_type = #tpu.core_type<tc>, window_params = [{transform_indices = @transform_0, window_bounds = array<i64: 2, 512, 128>}, {transform_indices = @transform_1, window_bounds = array<i64: 32, 512>}, {pipeline_mode = #tpu.pipeline_mode<synchronous>, transform_indices = @transform_2, window_bounds = array<i64: 1, 128>}, {pipeline_mode = #tpu.pipeline_mode<synchronous>, transform_indices = @transform_3, window_bounds = array<i64: 128, 128>}, {transform_indices = @transform_4, window_bounds = array<i64: 512, 128>}]} {
    %get3A = arith.constant 0 : index
    %get3A_0 = arith.constant 0 : index
    %get3A_1 = vector.load %arg2[%get3A, %get3A_0] : memref<32x512xf32, #tpu.memory_space<vmem>>, vector<32x512xf32>
    %reduce_sum3A = arith.constant dense<0.000000e+00> : vector<512xf32>
    %reduce_sum3A_2 = vector.multi_reduction <add>, %get3A_1, %reduce_sum3A [0] : vector<32x512xf32> to vector<512xf32>
    %gt3A = arith.constant 0.000000e+00 : f32
    %gt3A_3 = vector.broadcast %gt3A : f32 to vector<512xf32>
    %gt3A_4 = arith.cmpf ogt, %reduce_sum3A_2, %gt3A_3 : vector<512xf32>
    %max3A = arith.constant 9.99999996E-13 : f32
    %max3A_5 = vector.broadcast %max3A : f32 to vector<512xf32>
    %max3A_6 = arith.maximumf %reduce_sum3A_2, %max3A_5 : vector<512xf32>
    %rsqrt3A = math.rsqrt %max3A_6 : vector<512xf32>
    %jit3A = arith.constant 0.000000e+00 : f32
    %broadcast_in_dim3A = vector.broadcast %jit3A : f32 to vector<512xf32>
    %select_n3A = arith.select %gt3A_4, %rsqrt3A, %broadcast_in_dim3A : vector<512xi1>, vector<512xf32>
    %broadcast_in_dim3A_7 = vector.shape_cast %select_n3A : vector<512xf32> to vector<512x1xf32>
    %get3A_8 = arith.constant 0 : index
    %get3A_9 = arith.constant 0 : index
    %get3A_10 = arith.constant 0 : index
    %get3A_11 = vector.load %arg1[%get3A_8, %get3A_9, %get3A_10] : memref<2x512x128xf32, #tpu.memory_space<vmem>>, vector<1x512x128xf32>
    %get3A_12 = vector.shape_cast %get3A_11 : vector<1x512x128xf32> to vector<512x128xf32>
    %get3A_13 = arith.constant 1 : index
    %get3A_14 = arith.constant 0 : index
    %get3A_15 = arith.constant 0 : index
    %get3A_16 = vector.load %arg1[%get3A_13, %get3A_14, %get3A_15] : memref<2x512x128xf32, #tpu.memory_space<vmem>>, vector<1x512x128xf32>
    %get3A_17 = vector.shape_cast %get3A_16 : vector<1x512x128xf32> to vector<512x128xf32>
    %add3A = arith.addf %get3A_12, %get3A_17 : vector<512x128xf32>
    %mul3A = vector.broadcast %broadcast_in_dim3A_7 : vector<512x1xf32> to vector<512x128xf32>
    %mul3A_18 = arith.mulf %add3A, %mul3A : vector<512x128xf32>
    %get3A_19 = arith.constant 0 : index
    %get3A_20 = arith.constant 0 : index
    %get3A_21 = vector.load %arg3[%get3A_19, %get3A_20] : memref<1x128xf32, #tpu.memory_space<vmem>>, vector<1x128xf32>
    %add3A_22 = vector.broadcast %get3A_21 : vector<1x128xf32> to vector<512x128xf32>
    %add3A_23 = arith.addf %mul3A_18, %add3A_22 : vector<512x128xf32>
    %get3A_24 = arith.constant 0 : index
    %get3A_25 = arith.constant 0 : index
    %get3A_26 = vector.load %arg4[%get3A_24, %get3A_25] : memref<128x128xf32, #tpu.memory_space<vmem>>, vector<128x128xf32>
    %dot_general3A = arith.constant dense<0.000000e+00> : vector<512x128xf32>
    %dot_general3A_27 = tpu.matmul %add3A_23, %get3A_26, %dot_general3A {dimension_numbers = #tpu.dot_dimension_numbers<[1], [0], [0], [1], [0, 0, 1, 1], [], []>, transpose_lhs_hint = false} : vector<512x128xf32>, vector<128x128xf32>, vector<512x128xf32> -> vector<512x128xf32>
    %mul3A_28 = vector.broadcast %broadcast_in_dim3A_7 : vector<512x1xf32> to vector<512x128xf32>
    %mul3A_29 = arith.mulf %dot_general3A_27, %mul3A_28 : vector<512x128xf32>
    %swap3A = arith.constant 0 : index
    %swap3A_30 = arith.constant 0 : index
    %swap3A_31 = vector.load %arg5[%swap3A, %swap3A_30] : memref<512x128xf32, #tpu.memory_space<vmem>>, vector<512x128xf32>
    tpu.vector_store %arg5[%swap3A, %swap3A_30], %mul3A_29 {strides = array<i32>} : memref<512x128xf32, #tpu.memory_space<vmem>>, vector<512x128xf32>,
    return
  }
  func.func @transform_0(%arg0: i32) -> (i32, i32, i32) {
    %c0_i32 = arith.constant 0 : i32
    %c0_i32_0 = arith.constant 0 : i32
    %c0_i32_1 = arith.constant 0 : i32
    return %c0_i32, %arg0, %c0_i32_0 : i32, i32, i32
  }
  func.func @transform_1(%arg0: i32) -> (i32, i32) {
    %c0_i32 = arith.constant 0 : i32
    %c0_i32_0 = arith.constant 0 : i32
    return %c0_i32, %arg0 : i32, i32
  }
  func.func @transform_2(%arg0: i32) -> (i32, i32) {
    %c0_i32 = arith.constant 0 : i32
    %c0_i32_0 = arith.constant 0 : i32
    %c0_i32_1 = arith.constant 0 : i32
    return %c0_i32, %c0_i32_0 : i32, i32
  }
  func.func @transform_3(%arg0: i32) -> (i32, i32) {
    %c0_i32 = arith.constant 0 : i32
    %c0_i32_0 = arith.constant 0 : i32
    %c0_i32_1 = arith.constant 0 : i32
    return %c0_i32, %c0_i32_0 : i32, i32
  }
  func.func @transform_4(%arg0: i32) -> (i32, i32) {
    %c0_i32 = arith.constant 0 : i32
    %c0_i32_0 = arith.constant 0 : i32
    return %arg0, %c0_i32 : i32, i32
  }
}

module attributes {stable_mosaic.version = 14 : i64} {
  func.func @body(%arg0: i32, %arg1: memref<2x512x128xf32, #tpu.memory_space<vmem>>, %arg2: memref<32x512xf32, #tpu.memory_space<vmem>>, %arg3: memref<1x128xf32, #tpu.memory_space<vmem>>, %arg4: memref<512x128xf32, #tpu.memory_space<vmem>>, %arg5: memref<512x128xf32, #tpu.memory_space<vmem>>) attributes {dimension_semantics = [#tpu.dimension_semantics<arbitrary>], iteration_bounds = array<i64: 20>, scalar_prefetch = 0 : i64, scratch_operands = 0 : i64, tpu.core_type = #tpu.core_type<tc>, window_params = [{transform_indices = @transform_0, window_bounds = array<i64: 2, 512, 128>}, {transform_indices = @transform_1, window_bounds = array<i64: 32, 512>}, {pipeline_mode = #tpu.pipeline_mode<synchronous>, transform_indices = @transform_2, window_bounds = array<i64: 1, 128>}, {transform_indices = @transform_3, window_bounds = array<i64: 512, 128>}, {transform_indices = @transform_4, window_bounds = array<i64: 512, 128>}]} {
    %get3A = arith.constant 0 : index
    %get3A_0 = arith.constant 0 : index
    %get3A_1 = vector.load %arg2[%get3A, %get3A_0] : memref<32x512xf32, #tpu.memory_space<vmem>>, vector<32x512xf32>
    %reduce_sum3A = arith.constant dense<0.000000e+00> : vector<512xf32>
    %reduce_sum3A_2 = vector.multi_reduction <add>, %get3A_1, %reduce_sum3A [0] : vector<32x512xf32> to vector<512xf32>
    %gt3A = arith.constant 0.000000e+00 : f32
    %gt3A_3 = vector.broadcast %gt3A : f32 to vector<512xf32>
    %gt3A_4 = arith.cmpf ogt, %reduce_sum3A_2, %gt3A_3 : vector<512xf32>
    %max3A = arith.constant 9.99999996E-13 : f32
    %max3A_5 = vector.broadcast %max3A : f32 to vector<512xf32>
    %max3A_6 = arith.maximumf %reduce_sum3A_2, %max3A_5 : vector<512xf32>
    %rsqrt3A = math.rsqrt %max3A_6 : vector<512xf32>
    %jit3A = arith.constant 0.000000e+00 : f32
    %broadcast_in_dim3A = vector.broadcast %jit3A : f32 to vector<512xf32>
    %select_n3A = arith.select %gt3A_4, %rsqrt3A, %broadcast_in_dim3A : vector<512xi1>, vector<512xf32>
    %broadcast_in_dim3A_7 = vector.shape_cast %select_n3A : vector<512xf32> to vector<512x1xf32>
    %get3A_8 = arith.constant 0 : index
    %get3A_9 = arith.constant 0 : index
    %get3A_10 = arith.constant 0 : index
    %get3A_11 = vector.load %arg1[%get3A_8, %get3A_9, %get3A_10] : memref<2x512x128xf32, #tpu.memory_space<vmem>>, vector<1x512x128xf32>
    %get3A_12 = vector.shape_cast %get3A_11 : vector<1x512x128xf32> to vector<512x128xf32>
    %get3A_13 = arith.constant 1 : index
    %get3A_14 = arith.constant 0 : index
    %get3A_15 = arith.constant 0 : index
    %get3A_16 = vector.load %arg1[%get3A_13, %get3A_14, %get3A_15] : memref<2x512x128xf32, #tpu.memory_space<vmem>>, vector<1x512x128xf32>
    %get3A_17 = vector.shape_cast %get3A_16 : vector<1x512x128xf32> to vector<512x128xf32>
    %add3A = arith.addf %get3A_12, %get3A_17 : vector<512x128xf32>
    %mul3A = vector.broadcast %broadcast_in_dim3A_7 : vector<512x1xf32> to vector<512x128xf32>
    %mul3A_18 = arith.mulf %add3A, %mul3A : vector<512x128xf32>
    %get3A_19 = arith.constant 0 : index
    %get3A_20 = arith.constant 0 : index
    %get3A_21 = vector.load %arg3[%get3A_19, %get3A_20] : memref<1x128xf32, #tpu.memory_space<vmem>>, vector<1x128xf32>
    %add3A_22 = vector.broadcast %get3A_21 : vector<1x128xf32> to vector<512x128xf32>
    %add3A_23 = arith.addf %mul3A_18, %add3A_22 : vector<512x128xf32>
    %mul3A_24 = arith.mulf %add3A_23, %add3A_23 : vector<512x128xf32>
    %reduce_sum3A_25 = arith.constant dense<0.000000e+00> : vector<512xf32>
    %reduce_sum3A_26 = vector.multi_reduction <add>, %mul3A_24, %reduce_sum3A_25 [1] : vector<512x128xf32> to vector<512xf32>
    %broadcast_in_dim3A_27 = vector.shape_cast %reduce_sum3A_26 : vector<512xf32> to vector<512x1xf32>
    %sqrt3A = math.sqrt %broadcast_in_dim3A_27 : vector<512x1xf32>
    %max3A_28 = arith.constant 9.99999996E-13 : f32
    %max3A_29 = vector.broadcast %max3A_28 : f32 to vector<512x1xf32>
    %max3A_30 = arith.maximumf %sqrt3A, %max3A_29 : vector<512x1xf32>
    %div3A = vector.broadcast %max3A_30 : vector<512x1xf32> to vector<512x128xf32>
    %div3A_31 = arith.divf %add3A_23, %div3A : vector<512x128xf32>
    %get3A_32 = arith.constant 0 : index
    %get3A_33 = arith.constant 0 : index
    %get3A_34 = vector.load %arg4[%get3A_32, %get3A_33] : memref<512x128xf32, #tpu.memory_space<vmem>>, vector<512x128xf32>
    %add3A_35 = arith.addf %div3A_31, %get3A_34 : vector<512x128xf32>
    %swap3A = arith.constant 0 : index
    %swap3A_36 = arith.constant 0 : index
    %swap3A_37 = vector.load %arg5[%swap3A, %swap3A_36] : memref<512x128xf32, #tpu.memory_space<vmem>>, vector<512x128xf32>
    tpu.vector_store %arg5[%swap3A, %swap3A_36], %add3A_35 {strides = array<i32>} : memref<512x128xf32, #tpu.memory_space<vmem>>, vector<512x128xf32>,
    return
  }
  func.func @transform_0(%arg0: i32) -> (i32, i32, i32) {
    %c0_i32 = arith.constant 0 : i32
    %c0_i32_0 = arith.constant 0 : i32
    %c0_i32_1 = arith.constant 0 : i32
    return %c0_i32, %arg0, %c0_i32_0 : i32, i32, i32
  }
  func.func @transform_1(%arg0: i32) -> (i32, i32) {
    %c0_i32 = arith.constant 0 : i32
    %c0_i32_0 = arith.constant 0 : i32
    return %c0_i32, %arg0 : i32, i32
  }
  func.func @transform_2(%arg0: i32) -> (i32, i32) {
    %c0_i32 = arith.constant 0 : i32
    %c0_i32_0 = arith.constant 0 : i32
    %c0_i32_1 = arith.constant 0 : i32
    return %c0_i32, %c0_i32_0 : i32, i32
  }
  func.func @transform_3(%arg0: i32) -> (i32, i32) {
    %c0_i32 = arith.constant 0 : i32
    %c0_i32_0 = arith.constant 0 : i32
    return %arg0, %c0_i32 : i32, i32
  }
  func.func @transform_4(%arg0: i32) -> (i32, i32) {
    %c0_i32 = arith.constant 0 : i32
    %c0_i32_0 = arith.constant 0 : i32
    return %arg0, %c0_i32 : i32, i32
  }
}

</mosaic_0001>

<sc_bundles>
// kernel: kernel.11.cloned.1.call-start
scs
__scs_entry_jumppad:
0x0: {  	(pc) =	sbr.rel $0x88, $3  }
0x1: {  	(tag) =	ssettag $0x0;
	lr =	simm.s32 $0x1  }
0x2: {  	[smem:$0x3F9B] =	sst lr;
	_ =	strace $0xD0000000  }
0x3: {  	_ = 	snop  }
0x4: {  	_ = 	snop  }
0x5: {  	_ = 	snop  }
0x6: {  	_ = 	snop  }
0x7: {  	_ = 	snop  }
__scs_overlays_trampoline_lowered:
0x8: {  	[smem:$0x3FAA] =	sst s0  }
0x9: {  	[smem:$0x3FAB] =	sst s1  }
0xa: {  	[smem:$0x3FAC] =	sst s2  }
0xb: {  	[smem:$0x3FAD] =	sst s3  }
0xc: {  	[smem:$0x3FAE] =	sst s4  }
0xd: {  	[smem:$0x3FAF] =	sst s5  }
0xe: {  	[smem:$0x3FB0] =	sst s6  }
0xf: {  	[smem:$0x3FB1] =	sst s7  }
0x10: {  	[smem:$0x3FB2] =	sst s8  }
0x11: {  	[smem:$0x3FB3] =	sst s9;
	s0 =	simm.s32 @!p0 $0x0  }
0x12: {  	s1 =	sld [smem:$0x3F99];
	s0 =	simm.s32 @p0 $0x1  }
0x13: {  	[smem:$0x3FB4] =	sst s0;
	s0 =	simm.s32 @!p1 $0x0  }
0x14: {  	s2 =	sld [smem:$0x3F98];
	s0 =	simm.s32 @p1 $0x1  }
0x15: {  	[smem:$0x3FB5] =	sst s0;
	s0 =	simm.s32 @!p2 $0x0  }
0x16: {  	s3 =	sld [smem:$0x3FDB];
	s0 =	simm.s32 @p2 $0x1  }
0x17: {  	s4 =	simm.s32 $0x1BF5;
	[smem:$0x3FB7] =	sst s0  }
0x18: {  	s0 =	sld [smem:$0x3F9A];
	_ =	swait.ge [sflag:s4], $0x0  }
0x19: {  	s7 =	sld [smem:$0x3F9B]  }
0x1a: {  	s8 =	sadd.s32 $0xFFFFE003, lr  }
0x1b: {  	s9 =	sadd.s32 $0xFFFFFEF7, lr;
	s5 =	simm.s32 $0xFFFFFFFF;
	p2 =	slt.u32 s8, $0xFFFFF086  }
0x1c: {  	p1 =	slt.u32 s9, $0xF7A;
	s5 =	simm.s32 @!p2 $0x0  }
0x1d: {  	s5 =	simm.s32 @p1 $0x1;
	p0 =	seq.s32 s7, s2  }
0x1e: {  	s7 =	smul.u32 @!p0 $0xF7A, s2;
	p2 =	seq.s32 @!p0 s5, $0x0  }
0x1f: {  	s9 =	smul.u32 $0xF7A, s1;
	s8 =	simm.s32 @!p0 $0x1BF5;
	p2 =	por !p2, p0  }
0x20: {  	[sflag:s8] =	ssyncset.s32 @!p0 $0xFFFFF086;
	s6 =	sadd.s32 @!p0 s3, s7;
	s7 =	simm.s32 @!p0 $0x108  }
0x21: {  	s3 =	sadd.s32 s3, s9;
	s6 =	sadd.s32 @!p0 $0x88, s6;
	s7 =	simm.s32 @p2 $0x1082  }
0x22: {  	[simem:s7], [sflag:s8] =	dma.local @!p0 [hbm:s6], $0xF7A  }
0x23: {  	s9 =	sor.u32 $0xD0000000, s2;
	s6 =	simm.s32 $0x108;
	_ =	swait.ge @!p0 [sflag:s8], $0x0  }
0x24: {  	s3 =	sadd.s32 $0x88, s3;
	s6 =	simm.s32 @!p1 $0x1082;
	[sflag:s4] =	ssyncset.s32 $0xFFFFF086  }
0x25: {  	[simem:s6], [sflag:s4] =	dma.local [hbm:s3], $0xF7A  }
0x26: {  	[smem:$0x3F9B] =	sst s1;
	(tag) =	ssettag s2;
	_ =	strace s9  }
0x27: {  	s1 =	sld [smem:$0x3FAB]  }
0x28: {  	s2 =	sld [smem:$0x3FAC]  }
0x29: {  	s4 =	sld [smem:$0x3FAE]  }
0x2a: {  	p0 =	seq.s32 s5, $0x0;
	s5 =	sld [smem:$0x3FAF]  }
0x2b: {  	s6 =	sld [smem:$0x3FB0]  }
0x2c: {  	s7 =	sld [smem:$0x3FB1]  }
0x2d: {  	s3 =	simm.s32 $0x108;
	s8 =	sld [smem:$0x3FB2]  }
0x2e: {  	s3 =	simm.s32 @!p0 $0x1082;
	s9 =	sld [smem:$0x3FB3]  }
0x2f: {  	lr =	sadd.s32 s0, s3;
	s0 =	sld [smem:$0x3FAA]  }
0x30: {  	s3 =	sld [smem:$0x3FAD]  }
0x31: {  	[smem:$0x3FB6] =	sst s10  }
0x32: {  	s10 =	sld [smem:$0x3FB4];
	_ =	sdelay $0x3  }
0x33: {  	p0 =	seq.s32 s10, $0x1;
	s10 =	sld [smem:$0x3FB6];
	_ =	sdelay $0x3  }
0x34: {  	[smem:$0x3FB6] =	sst s10  }
0x35: {  	s10 =	sld [smem:$0x3FB5];
	_ =	sdelay $0x3  }
0x36: {  	p1 =	seq.s32 s10, $0x1;
	s10 =	sld [smem:$0x3FB6];
	_ =	sdelay $0x3  }
0x37: {  	[smem:$0x3FB6] =	sst s10  }
0x38: {  	s10 =	sld [smem:$0x3FB7]  }
0x39: {  	_ = 	snop;
	(pc) =	sbr.ind lr, $3  }
0x3a: {  	_ = 	snop  }
0x3b: {  	_ = 	snop  }
0x3c: {  	p2 =	seq.s32 s10, $0x1;
	s10 =	sld [smem:$0x3FB6]  }
0x3d: {  	_ =	shalt  }
0x3e: {  	_ =	shalt  }
0x3f: {  	_ =	shalt  }
0x40: {  	_ =	shalt  }
0x41: {  	_ =	shalt  }
0x42: {  	_ =	shalt  }
0x43: {  	_ =	shalt  }
0x44: {  	_ =	shalt  }
0x45: {  	_ =	shalt  }
0x46: {  	_ =	shalt  }
0x47: {  	_ =	shalt  }
0x48: {  	_ =	shalt  }
0x49: {  	_ =	shalt  }
0x4a: {  	_ =	shalt  }
0x4b: {  	_ =	shalt  }
0x4c: {  	_ =	shalt  }
0x4d: {  	_ =	shalt  }
0x4e: {  	_ =	shalt  }
0x4f: {  	_ =	shalt  }
0x50: {  	_ =	shalt  }
0x51: {  	_ =	shalt  }
0x52: {  	_ =	shalt  }
0x53: {  	_ =	shalt  }
0x54: {  	_ =	shalt  }
0x55: {  	_ =	shalt  }
0x56: {  	_ =	shalt  }
0x57: {  	_ =	shalt  }
0x58: {  	_ =	shalt  }
0x59: {  	_ =	shalt  }
0x5a: {  	_ =	shalt  }
0x5b: {  	_ =	shalt  }
0x5c: {  	_ =	shalt  }
0x5d: {  	_ =	shalt  }
0x5e: {  	_ =	shalt  }
0x5f: {  	_ =	shalt  }
0x60: {  	_ =	shalt  }
0x61: {  	_ =	shalt  }
0x62: {  	_ =	shalt  }
0x63: {  	_ =	shalt  }
0x64: {  	_ =	shalt  }
0x65: {  	_ =	shalt  }
0x66: {  	_ =	shalt  }
0x67: {  	_ =	shalt  }
0x68: {  	_ =	shalt  }
0x69: {  	_ =	shalt  }
0x6a: {  	_ =	shalt  }
0x6b: {  	_ =	shalt  }
0x6c: {  	_ =	shalt  }
0x6d: {  	_ =	shalt  }
0x6e: {  	_ =	shalt  }
0x6f: {  	_ =	shalt  }
0x70: {  	_ =	shalt  }
0x71: {  	_ =	shalt  }
0x72: {  	_ =	shalt  }
0x73: {  	_ =	shalt  }
0x74: {  	_ =	shalt  }
0x75: {  	_ =	shalt  }
0x76: {  	_ =	shalt  }
0x77: {  	_ =	shalt  }
0x78: {  	_ =	shalt  }
0x79: {  	_ =	shalt  }
0x7a: {  	_ =	shalt  }
0x7b: {  	_ =	shalt  }
0x7c: {  	_ =	shalt  }
0x7d: {  	_ =	shalt  }
0x7e: {  	_ =	shalt  }
0x7f: {  	_ =	shalt  }
0x80: {  	_ =	shalt  }
0x81: {  	_ =	shalt  }
0x82: {  	_ =	shalt  }
0x83: {  	_ =	shalt  }
0x84: {  	_ =	shalt  }
0x85: {  	_ =	shalt  }
0x86: {  	_ =	shalt  }
0x87: {  	_ =	shalt  }
.Lfunc_end0:
.L_simem_size_0:
called_computation.1_lowered:
.L_overlay_start_0:
0x88: {  	s2 =	sld [smem:$0x3FD9]  }
0x89: {  	s3 =	sld [smem:$0x3FFE];
	_ =	sdelay $0x1  }
0x8a: {  	s1 =	srdreg.scid  }
0x8b: {  	s0 =	sand.u32 $0x1, s1  }
0x8c: {  	s17 =	sshll.u32 s0, $0xA;
	s2 =	sadd.s32 s3, s2  }
0x8d: {  	s2 =	sadd.s32 s2, s17  }
0x8e: {  	[smem:$0x3FC2] =	sst s2  }
0x8f: {  	_ = 	snop  }
0x90: {  	s2 =	sld [smem:$0x3FD0];
	(tm) =	ssettm $0x1  }
0x91: {  	s18 =	sld [smem:$0x3FFB];
	_ =	sdelay $0x3  }
0x92: {  	_ =	strace s18  }
0x93: {  	s3 =	sld [smem:$0x3FFC];
	_ =	sdelay $0x3  }
0x94: {  	_ =	strace s3  }
0x95: {  	s3 =	sld [smem:$0x3FFD];
	_ =	sdelay $0x3  }
0x96: {  	_ =	strace s3  }
0x97: {  	_ =	strace $0x8FFFFFFF  }
0x98: {  	s19 =	sld [smem:$0x3FDB];
	_ =	sdelay $0x1  }
0x99: {  	s4 =	simm.s32 $_scs_section_size  }
0x9a: {  	s5 =	simm.s32 $_size__tile_overlayer_lowered;
	s6 =	simm.s32 $_tile_overlayer_lowered  }
0x9b: {  	s22 =	simm.s32 $0x1BFF;
	s21 =	sshll.u32 s6, $0x1;
	s3 =	sadd.s32 s4, s19  }
0x9c: {  	s7 =	simm.s32 $0x0;
	s20 =	sshll.u32 s5, $0x1;
	s5 =	sadd.s32 s21, s3  }
0x9d: {  	[timem:s7], [sflag:s22] =	dma.local [hbm:s5], s20  }
0x9e: {  	_ =	swait.ge [sflag:s22], s20  }
0x9f: {  	s4 =	ssub.s32 $0x0, s20;
	[sflag:s22] =	ssyncset.done $0x0  }
0xa0: {  	[sflag:s22] =	ssyncadd.s32 s4;
	_ =	sdelay $0x1  }
0xa1: {  	s23 =	simm.s32 $0x1B8B  }
0xa2: {  	_ =	swait.ge [sflag:s23], $0x1  }
0xa3: {  	[sflag:s23] =	ssyncset.done $0x0  }
0xa4: {  	s25 =	simm.s32 $0x1B8E;
	s24 =	sld [smem:$0x3FFE];
	[sflag:s23] =	ssyncadd.s32 $0xFFFFFFFF  }
0xa5: {  	s26 =	simm.s32 $execute0_lowered;
	[smem:$0x3FD2] =	sst s25  }
0xa6: {  	s5 =	sshll.u32 s26, $0x1;
	_ =	strace $0x80000049;
	[dreg:$0x1] =	wrdreg $0xFFFFFFFF  }
0xa7: {  	s28 =	simm.s32 $_size_execute0_lowered;
	s3 =	sadd.s32 s3, s5;
	[dreg:$0x0] =	wrdreg $0x0  }
0xa8: {  	s5 =	sshll.u32 s28, $0x1;
	[dreg:$0x2] =	wrdreg s3  }
0xa9: {  	[dreg:$0x3] =	wrdreg s5  }
0xaa: {  	[dreg:$0x4] =	wrdreg $0xC0  }
0xab: {  	_ =	task [dreg:s7], $0x5FFFF  }
0xac: {  	[dreg:$0x1] =	wrdreg $0xFFFFFFFF  }
0xad: {  	[dreg:$0x0] =	wrdreg $0x60  }
0xae: {  	[dreg:$0x2] =	wrdreg s24  }
0xaf: {  	[dreg:$0x3] =	wrdreg s2  }
0xb0: {  	[dreg:$0x4] =	wrdreg $0x90000  }
0xb1: {  	[dreg:$0x5] =	wrdreg $0x9  }
0xb2: {  	_ =	task.clear_ibuf [dreg:s7], $0x6FFFF;
	_ =	strace $0x90000049  }
0xb3: {  	s29 =	simm.s32 $0x9;
	_ =	strace $0x8000004B  }
0xb4: {  	_ =	swait.ge [sflag:s29], $0x1  }
0xb5: {  	[sflag:s29] =	ssyncadd.s32 $0xFFFFFFFF  }
0xb6: {  	_ =	strace $0x9000004B  }
0xb7: {  	_ =	sfence  }
0xb8: {  	s30 =	sld [smem:$0x0];
	_ =	sdelay $0x2  }
0xb9: {  	s31 =	sshll.u32 s1, $0xD;
	s1 =	sshrl.u32 s1, $0x2  }
0xba: {  	s3 =	sand.u32 $0x4000, s31;
	s1 =	sadd.s32 s1, s30  }
0xbb: {  	s0 =	sor.u32 s3, s0;
	s1 =	sshll.u32 s1, $0x11  }
0xbc: {  	s0 =	sor.u32 s1, s0  }
0xbd: {  	s0 =	sadd.s32 $0x8F2B, s0  }
0xbe: {  	[sflag:s0] =	ssyncadd.remote.s32 $0x1  }
0xbf: {  	_ =	sfence.sel $0xFFFF  }
0xc0: {  	[dreg:$0x0] =	wrdreg $0xFFFFFFFF;
	(pc) =	sbr.abs _section_cstart, $3  }
0xc1: {  	[dreg:$0x1] =	wrdreg $0xFFFFFFFF  }
0xc2: {  	_ =	task.clear_ibuf [dreg:s7], $0x2FFFF;
	_ =	strace $0x9FFFFFFF  }
0xc3: {  	(tm) =	ssettm $0x7FFFFFFF  }
tec
execute0_lowered:
.L_overlay_start_1:
0x0: {  	(tag) =	ssettag $0x1  }
0x1: {  	s5 =	rddreg [dreg:$0x0]  }
0x2: {  	s7 =	rddreg [dreg:$0x1];
	s1 =	srdreg.scid  }
0x3: {  	s0 =	stileid.u32;
	s2 =	rddreg [dreg:$0x2]  }
0x4: {  	s3 =	simm.s32 $0x0;
	s14 =	simm.s32 $0x2800;
	s15 =	simm.s32 $0x5000  }
0x5: {  	s16 =	simm.s32 $0x80;
	s17 =	simm.s32 $0x1;
	s6 =	sand.u32 $0x1, s1  }
0x6: {  	s4 =	sshll.u32 s0, $0x1;
	s1 =	rddreg [dreg:$0x3];
	s9 =	smul.u32 $0x50000, s0  }
0x7: {  	[smem:$0x7FF] =	sst s3;
	s19 =	smul.u32 $0x2800, s0;
	s20 =	sshll.u32 s0, $0x6  }
0x8: {  	s4 =	sor.u32 s6, s4;
	_ =	strace $0x8000004A;
	s10 =	smul.u32 $0x28000, s6  }
0x9: {  	s6 =	ssub.s32 $0x2, s6;
	s8 =	smul.u32 $0x500, s4;
	s4 =	sadd.s32 $0x15E00, s5  }
0xa: {  	s12 =	sshrl.u32 s6, $0x1;
	s9 =	sshrl.u32 s9, $0x2;
	s13 =	sadd.s32 s10, s5  }
0xb: {  	s12 =	ssub.s32 s6, s12;
	s11 =	sadd.s32 s8, s5;
	s5 =	sadd.s32 s9, s2  }
0xc: {  	s7 =	sadd.s32 s7, s8;
	s18 =	sadd.s32 $0x3DE00, s13;
	s12 =	smax.u32 s12, $0x1  }
0xd: {  	s13 =	simm.s32 $0x2;
	s6 =	sadd.s32 $0xBE00, s11;
	s8 =	sadd.s32 $0x4000, s5  }
0xe: {  	s9 =	sadd.s32 $0x8000, s5;
	s10 =	sadd.s32 $0xC000, s5;
	s11 =	sadd.s32 $0x10000, s5  }
0xf: {  	v0 =	vimm.f32 $0.0e+00;
	s18 =	sadd.s32 s19, s18;
	s19 =	sor.u32 $0x1C02, s20;
	s20 =	sshrl.u32 s5, $0x3  }
.LBB2_1:
0x10: {  	s21 =	simm.s32 $0x0;
	s22 =	simm.s32 $0x200  }
.LBB2_2:
0x11: {  	p0 =	sne.s32 s22, $0xFE00;
	[tilespmem:s21+$0x5070] =	vst v0  }
0x12: {  	[tilespmem:s21+$0x5000] =	vst v0  }
0x13: {  	[tilespmem:s21+$0x5010] =	vst v0  }
.Ltmp0:
0x14: {  	[tilespmem:s21+$0x5020] =	vst v0;
	(pc) =	sbr.rel @p0 .LBB2_2-.Ltmp0, $4  }
0x15: {  	[tilespmem:s21+$0x5030] =	vst v0  }
0x16: {  	[tilespmem:s21+$0x5040] =	vst v0  }
0x17: {  	[tilespmem:s21+$0x5050] =	vst v0  }
0x18: {  	[tilespmem:s21+$0x5060] =	vst v0;
	s21 =	sshra.s32 s22, $0x2;
	s22 =	sadd.s32 $0x200, s22  }
0x19: {  	[tilespmem:s21+$0x5070] =	vst v0  }
0x1a: {  	[tilespmem:s21+$0x5000] =	vst v0  }
0x1b: {  	[tilespmem:s21+$0x5010] =	vst v0  }
0x1c: {  	[tilespmem:s21+$0x5020] =	vst v0  }
0x1d: {  	[tilespmem:s21+$0x5030] =	vst v0  }
0x1e: {  	[tilespmem:s21+$0x5040] =	vst v0  }
0x1f: {  	[tilespmem:s21+$0x5050] =	vst v0  }
0x20: {  	[tilespmem:s21+$0x5060] =	vst v0;
	s29 =	simm.s32 $0x0  }
0x21: {  	[tilespmem:s29], [sflag:$0x2] =	stream.linear.gather [hbm4b:s6+s29], $0x2780, $0x38;
	[tilespmem:$0x1D000] =	vst v63  }
0x22: {  	_ =	swait.ge [sflag:s13], $0x2780  }
0x23: {  	[sflag:s13] =	ssyncset.done $0x0  }
0x24: {  	[sflag:s13] =	ssyncadd.s32 $0xFFFFD880  }
0x25: {  	[tilespmem:s14], [sflag:$0x2] =	stream.linear.gather [hbm4b:s7+s29], $0x2780, $0x38;
	[tilespmem:$0x1D000] =	vst v63  }
0x26: {  	_ =	swait.ge [sflag:s13], $0x2780  }
0x27: {  	[sflag:s13] =	ssyncset.done $0x0  }
0x28: {  	[sflag:s13] =	ssyncadd.s32 $0xFFFFD880  }
0x29: {  	[spmem:s5] =	stream.linear.scatter [tilespmem:s15], [sflag:$0x2], $0x4000, $0x38;
	[tilespmem:$0x1D000] =	vst v63  }
0x2a: {  	_ =	swait.ge [sflag:s13], $0x4000  }
0x2b: {  	[sflag:s13] =	ssyncset.done $0x0  }
0x2c: {  	[sflag:s13] =	ssyncadd.s32 $0xFFFFC000  }
0x2d: {  	[spmem:s8] =	stream.linear.scatter [tilespmem:s15], [sflag:$0x2], $0x4000, $0x38;
	[tilespmem:$0x1D000] =	vst v63  }
0x2e: {  	_ =	swait.ge [sflag:s13], $0x4000  }
0x2f: {  	[sflag:s13] =	ssyncset.done $0x0  }
0x30: {  	[sflag:s13] =	ssyncadd.s32 $0xFFFFC000  }
0x31: {  	[spmem:s9] =	stream.linear.scatter [tilespmem:s15], [sflag:$0x2], $0x4000, $0x38;
	[tilespmem:$0x1D000] =	vst v63  }
0x32: {  	_ =	swait.ge [sflag:s13], $0x4000  }
0x33: {  	[sflag:s13] =	ssyncset.done $0x0  }
0x34: {  	[sflag:s13] =	ssyncadd.s32 $0xFFFFC000  }
0x35: {  	[spmem:s10] =	stream.linear.scatter [tilespmem:s15], [sflag:$0x2], $0x4000, $0x38;
	[tilespmem:$0x1D000] =	vst v63  }
0x36: {  	_ =	swait.ge [sflag:s13], $0x4000  }
0x37: {  	[sflag:s13] =	ssyncset.done $0x0  }
0x38: {  	[sflag:s13] =	ssyncadd.s32 $0xFFFFC000  }
0x39: {  	[spmem:s11] =	stream.linear.scatter [tilespmem:s15], [sflag:$0x2], $0x4000, $0x38;
	[tilespmem:$0x1D000] =	vst v63  }
0x3a: {  	_ =	swait.ge [sflag:s13], $0x4000  }
0x3b: {  	[sflag:s13] =	ssyncset.done $0x0  }
0x3c: {  	[sflag:s13] =	ssyncadd.s32 $0xFFFFC000  }
0x3d: {  	s30 =	simm.s32 $0x0;
	[bflag:$0x0] =	sbarrier.arrive $0xFFFF  }
0x3e: {  	[tilespmem:s15], [sflag:$0x1] =	stream.indirect.gather [hbm4b:s4+s16], $0x80, s30, s16, $0xb8;
	[tilespmem:$0x1D000] =	vst v63  }
0x3f: {  	_ =	swait.ge [sflag:s17], $0x4000  }
0x40: {  	[sflag:s17] =	ssyncset.done $0x0  }
0x41: {  	s31 =	simm.s32 $0x2800;
	[sflag:s17] =	ssyncadd.s32 $0xFFFFC000  }
0x42: {  	[spmem:s2] =	stream.indirect.scatter.add.f32 [tilespmem:s15], [sflag:$0x2], $0x80, s31, s16, $0xb8;
	[tilespmem:$0x1D000] =	vst v63  }
0x43: {  	_ =	swait.ge [sflag:s13], $0x4000  }
0x44: {  	s21 =	simm.s32 $0x200;
	s22 =	simm.s32 $0x400;
	[sflag:s13] =	ssyncset.done $0x0  }
.LBB2_4:
0x45: {  	s23 =	sshra.s32 s21, $0x2  }
0x46: {  	[sflag:s13] =	ssyncadd.s32 $0xFFFFC000;
	s21 =	smov.u32 s22;
	s24 =	sadd.s32 $0x200, s22  }
0x47: {  	[tilespmem:s15], [sflag:$0x1] =	stream.indirect.gather [hbm4b:s4+s16], $0x80, s23, s16, $0xb8;
	[tilespmem:$0x1D000] =	vst v63  }
0x48: {  	p0 =	sne.s32 s22, $0x9C00;
	_ =	swait.ge [sflag:s17], $0x4000  }
.Ltmp1:
0x49: {  	[sflag:s17] =	ssyncset.done $0x0;
	(pc) =	sbr.rel @p0 .LBB2_4-.Ltmp1, $4  }
0x4a: {  	s22 =	sadd.s32 $0x2800, s23;
	[sflag:s17] =	ssyncadd.s32 $0xFFFFC000  }
0x4b: {  	[spmem:s2] =	stream.indirect.scatter.add.f32 [tilespmem:s15], [sflag:$0x2], $0x80, s22, s16, $0xb8;
	[tilespmem:$0x1D000] =	vst v63  }
0x4c: {  	_ =	swait.ge [sflag:s13], $0x4000  }
0x4d: {  	s22 =	smov.u32 s24;
	[sflag:s13] =	ssyncset.done $0x0  }
0x4e: {  	s21 =	sshra.s32 s21, $0x2;
	[sflag:s13] =	ssyncadd.s32 $0xFFFFC000  }
0x4f: {  	[tilespmem:s15], [sflag:$0x1] =	stream.indirect.gather [hbm4b:s4+s16], $0x80, s21, s16, $0xb8;
	[tilespmem:$0x1D000] =	vst v63  }
0x50: {  	_ =	swait.ge [sflag:s17], $0x4000  }
0x51: {  	[sflag:s17] =	ssyncset.done $0x0  }
0x52: {  	s21 =	sadd.s32 $0x2800, s21;
	[sflag:s17] =	ssyncadd.s32 $0xFFFFC000  }
0x53: {  	[spmem:s2] =	stream.indirect.scatter.add.f32 [tilespmem:s15], [sflag:$0x2], $0x80, s21, s16, $0xb8;
	[tilespmem:$0x1D000] =	vst v63  }
0x54: {  	_ =	swait.ge [sflag:s13], $0x4000  }
0x55: {  	s3 =	sadd.s32 $0x1, s3;
	[sflag:s13] =	ssyncset.done $0x0  }
0x56: {  	p0 =	sne.s32 s3, s12;
	[sflag:s13] =	ssyncadd.s32 $0xFFFFC000  }
.Ltmp2:
0x57: {  	[bflag:$0x0] =	sbarrier.arrive $0xFFFF;
	(pc) =	sbr.rel @p0 .LBB2_1-.Ltmp2, $4  }
0x58: {  	[hbm:s18], [sflag:s19] =	dma.local [spmem:s20], $0x2800  }
0x59: {  	_ =	swait.ge [sflag:s13], $0x2800  }
0x5a: {  	[sflag:s13] =	ssyncset.done $0x0  }
0x5b: {  	[sflag:s13] =	ssyncadd.s32 $0xFFFFD800  }
0x5c: {  	_ =	sfence.sel $0x180000  }
0x5d: {  	[bflag:$0x0] =	sbarrier.arrive $0xFFFF  }
0x5e: {  	p0 =	sne.s32 s0, $0x0;
	_ =	strace $0x9000004A  }
0x5f: {  	s0 =	sadd.s32 @!p0 $0x100000, s1;
	[bflag:$0x2] =	sbarrier.arrive $0xFFFF  }
0x60: {  	[sflag:s0] =	ssyncadd.tile.s32 @!p0 $0x1;
	_ =	shalt  }
.Lfunc_end2:
_tile_overlayer_lowered:
.L_overlay_start_2:
0x61: {  	(tag) =	ssettag $0x2  }
0x62: {  	s0 =	rddreg [dreg:$0x0];
	s2 =	stileid.u32  }
0x63: {  	s1 =	rddreg [dreg:$0x1];
	p0 =	sne.s32 s2, $0x0  }
0x64: {  	s3 =	rddreg [dreg:$0x2];
	[bflag:$0x3] =	sbarrier.arrive $0xFFFF;
	s2 =	simm.s32 @!p0 $0x1C02  }
0x65: {  	[timem:s3], [sflag:s2] =	dma.local @!p0 [hbm:s0], s1  }
0x66: {  	s0 =	simm.s32 @!p0 $0x2  }
0x67: {  	_ =	swait.ge @!p0 [sflag:s0], s1  }
0x68: {  	s1 =	ssub.s32 @!p0 $0x0, s1;
	[sflag:s0] =	ssyncset.done @!p0 $0x0  }
0x69: {  	[sflag:s0] =	ssyncadd.s32 @!p0 s1  }
0x6a: {  	[bflag:$0x3] =	sbarrier.arrive $0xFFFF  }
0x6b: {  	_ =	shalt  }

// kernel: kernel.14.cloned.1.call-start
scs
__scs_entry_jumppad:
0x0: {  	(pc) =	sbr.rel $0x88, $3  }
0x1: {  	(tag) =	ssettag $0x0;
	lr =	simm.s32 $0x1  }
0x2: {  	[smem:$0x3F9B] =	sst lr;
	_ =	strace $0xD0000000  }
0x3: {  	_ = 	snop  }
0x4: {  	_ = 	snop  }
0x5: {  	_ = 	snop  }
0x6: {  	_ = 	snop  }
0x7: {  	_ = 	snop  }
__scs_overlays_trampoline_lowered:
0x8: {  	[smem:$0x3FAA] =	sst s0  }
0x9: {  	[smem:$0x3FAB] =	sst s1  }
0xa: {  	[smem:$0x3FAC] =	sst s2  }
0xb: {  	[smem:$0x3FAD] =	sst s3  }
0xc: {  	[smem:$0x3FAE] =	sst s4  }
0xd: {  	[smem:$0x3FAF] =	sst s5  }
0xe: {  	[smem:$0x3FB0] =	sst s6  }
0xf: {  	[smem:$0x3FB1] =	sst s7  }
0x10: {  	[smem:$0x3FB2] =	sst s8  }
0x11: {  	[smem:$0x3FB3] =	sst s9;
	s0 =	simm.s32 @!p0 $0x0  }
0x12: {  	s1 =	sld [smem:$0x3F99];
	s0 =	simm.s32 @p0 $0x1  }
0x13: {  	[smem:$0x3FB4] =	sst s0;
	s0 =	simm.s32 @!p1 $0x0  }
0x14: {  	s2 =	sld [smem:$0x3F98];
	s0 =	simm.s32 @p1 $0x1  }
0x15: {  	[smem:$0x3FB5] =	sst s0;
	s0 =	simm.s32 @!p2 $0x0  }
0x16: {  	s3 =	sld [smem:$0x3FDB];
	s0 =	simm.s32 @p2 $0x1  }
0x17: {  	s4 =	simm.s32 $0x1BF5;
	[smem:$0x3FB7] =	sst s0  }
0x18: {  	s0 =	sld [smem:$0x3F9A];
	_ =	swait.ge [sflag:s4], $0x0  }
0x19: {  	s7 =	sld [smem:$0x3F9B]  }
0x1a: {  	s8 =	sadd.s32 $0xFFFFE003, lr  }
0x1b: {  	s9 =	sadd.s32 $0xFFFFFEF7, lr;
	s5 =	simm.s32 $0xFFFFFFFF;
	p2 =	slt.u32 s8, $0xFFFFF086  }
0x1c: {  	p1 =	slt.u32 s9, $0xF7A;
	s5 =	simm.s32 @!p2 $0x0  }
0x1d: {  	s5 =	simm.s32 @p1 $0x1;
	p0 =	seq.s32 s7, s2  }
0x1e: {  	s7 =	smul.u32 @!p0 $0xF7A, s2;
	p2 =	seq.s32 @!p0 s5, $0x0  }
0x1f: {  	s9 =	smul.u32 $0xF7A, s1;
	s8 =	simm.s32 @!p0 $0x1BF5;
	p2 =	por !p2, p0  }
0x20: {  	[sflag:s8] =	ssyncset.s32 @!p0 $0xFFFFF086;
	s6 =	sadd.s32 @!p0 s3, s7;
	s7 =	simm.s32 @!p0 $0x108  }
0x21: {  	s3 =	sadd.s32 s3, s9;
	s6 =	sadd.s32 @!p0 $0x88, s6;
	s7 =	simm.s32 @p2 $0x1082  }
0x22: {  	[simem:s7], [sflag:s8] =	dma.local @!p0 [hbm:s6], $0xF7A  }
0x23: {  	s9 =	sor.u32 $0xD0000000, s2;
	s6 =	simm.s32 $0x108;
	_ =	swait.ge @!p0 [sflag:s8], $0x0  }
0x24: {  	s3 =	sadd.s32 $0x88, s3;
	s6 =	simm.s32 @!p1 $0x1082;
	[sflag:s4] =	ssyncset.s32 $0xFFFFF086  }
0x25: {  	[simem:s6], [sflag:s4] =	dma.local [hbm:s3], $0xF7A  }
0x26: {  	[smem:$0x3F9B] =	sst s1;
	(tag) =	ssettag s2;
	_ =	strace s9  }
0x27: {  	s1 =	sld [smem:$0x3FAB]  }
0x28: {  	s2 =	sld [smem:$0x3FAC]  }
0x29: {  	s4 =	sld [smem:$0x3FAE]  }
0x2a: {  	p0 =	seq.s32 s5, $0x0;
	s5 =	sld [smem:$0x3FAF]  }
0x2b: {  	s6 =	sld [smem:$0x3FB0]  }
0x2c: {  	s7 =	sld [smem:$0x3FB1]  }
0x2d: {  	s3 =	simm.s32 $0x108;
	s8 =	sld [smem:$0x3FB2]  }
0x2e: {  	s3 =	simm.s32 @!p0 $0x1082;
	s9 =	sld [smem:$0x3FB3]  }
0x2f: {  	lr =	sadd.s32 s0, s3;
	s0 =	sld [smem:$0x3FAA]  }
0x30: {  	s3 =	sld [smem:$0x3FAD]  }
0x31: {  	[smem:$0x3FB6] =	sst s10  }
0x32: {  	s10 =	sld [smem:$0x3FB4];
	_ =	sdelay $0x3  }
0x33: {  	p0 =	seq.s32 s10, $0x1;
	s10 =	sld [smem:$0x3FB6];
	_ =	sdelay $0x3  }
0x34: {  	[smem:$0x3FB6] =	sst s10  }
0x35: {  	s10 =	sld [smem:$0x3FB5];
	_ =	sdelay $0x3  }
0x36: {  	p1 =	seq.s32 s10, $0x1;
	s10 =	sld [smem:$0x3FB6];
	_ =	sdelay $0x3  }
0x37: {  	[smem:$0x3FB6] =	sst s10  }
0x38: {  	s10 =	sld [smem:$0x3FB7]  }
0x39: {  	_ = 	snop;
	(pc) =	sbr.ind lr, $3  }
0x3a: {  	_ = 	snop  }
0x3b: {  	_ = 	snop  }
0x3c: {  	p2 =	seq.s32 s10, $0x1;
	s10 =	sld [smem:$0x3FB6]  }
0x3d: {  	_ =	shalt  }
0x3e: {  	_ =	shalt  }
0x3f: {  	_ =	shalt  }
0x40: {  	_ =	shalt  }
0x41: {  	_ =	shalt  }
0x42: {  	_ =	shalt  }
0x43: {  	_ =	shalt  }
0x44: {  	_ =	shalt  }
0x45: {  	_ =	shalt  }
0x46: {  	_ =	shalt  }
0x47: {  	_ =	shalt  }
0x48: {  	_ =	shalt  }
0x49: {  	_ =	shalt  }
0x4a: {  	_ =	shalt  }
0x4b: {  	_ =	shalt  }
0x4c: {  	_ =	shalt  }
0x4d: {  	_ =	shalt  }
0x4e: {  	_ =	shalt  }
0x4f: {  	_ =	shalt  }
0x50: {  	_ =	shalt  }
0x51: {  	_ =	shalt  }
0x52: {  	_ =	shalt  }
0x53: {  	_ =	shalt  }
0x54: {  	_ =	shalt  }
0x55: {  	_ =	shalt  }
0x56: {  	_ =	shalt  }
0x57: {  	_ =	shalt  }
0x58: {  	_ =	shalt  }
0x59: {  	_ =	shalt  }
0x5a: {  	_ =	shalt  }
0x5b: {  	_ =	shalt  }
0x5c: {  	_ =	shalt  }
0x5d: {  	_ =	shalt  }
0x5e: {  	_ =	shalt  }
0x5f: {  	_ =	shalt  }
0x60: {  	_ =	shalt  }
0x61: {  	_ =	shalt  }
0x62: {  	_ =	shalt  }
0x63: {  	_ =	shalt  }
0x64: {  	_ =	shalt  }
0x65: {  	_ =	shalt  }
0x66: {  	_ =	shalt  }
0x67: {  	_ =	shalt  }
0x68: {  	_ =	shalt  }
0x69: {  	_ =	shalt  }
0x6a: {  	_ =	shalt  }
0x6b: {  	_ =	shalt  }
0x6c: {  	_ =	shalt  }
0x6d: {  	_ =	shalt  }
0x6e: {  	_ =	shalt  }
0x6f: {  	_ =	shalt  }
0x70: {  	_ =	shalt  }
0x71: {  	_ =	shalt  }
0x72: {  	_ =	shalt  }
0x73: {  	_ =	shalt  }
0x74: {  	_ =	shalt  }
0x75: {  	_ =	shalt  }
0x76: {  	_ =	shalt  }
0x77: {  	_ =	shalt  }
0x78: {  	_ =	shalt  }
0x79: {  	_ =	shalt  }
0x7a: {  	_ =	shalt  }
0x7b: {  	_ =	shalt  }
0x7c: {  	_ =	shalt  }
0x7d: {  	_ =	shalt  }
0x7e: {  	_ =	shalt  }
0x7f: {  	_ =	shalt  }
0x80: {  	_ =	shalt  }
0x81: {  	_ =	shalt  }
0x82: {  	_ =	shalt  }
0x83: {  	_ =	shalt  }
0x84: {  	_ =	shalt  }
0x85: {  	_ =	shalt  }
0x86: {  	_ =	shalt  }
0x87: {  	_ =	shalt  }
.Lfunc_end0:
.L_simem_size_0:
called_computation.2_lowered:
.L_overlay_start_0:
0x88: {  	s2 =	sld [smem:$0x3FD9]  }
0x89: {  	s3 =	sld [smem:$0x3FFE];
	_ =	sdelay $0x1  }
0x8a: {  	s1 =	srdreg.scid  }
0x8b: {  	s0 =	sand.u32 $0x1, s1  }
0x8c: {  	s17 =	sshll.u32 s0, $0xA;
	s2 =	sadd.s32 s3, s2  }
0x8d: {  	s2 =	sadd.s32 s2, s17  }
0x8e: {  	[smem:$0x3FC2] =	sst s2  }
0x8f: {  	_ = 	snop  }
0x90: {  	s2 =	sld [smem:$0x3FD0];
	(tm) =	ssettm $0x1  }
0x91: {  	s18 =	sld [smem:$0x3FFB];
	_ =	sdelay $0x3  }
0x92: {  	_ =	strace s18  }
0x93: {  	s3 =	sld [smem:$0x3FFC];
	_ =	sdelay $0x3  }
0x94: {  	_ =	strace s3  }
0x95: {  	s3 =	sld [smem:$0x3FFD];
	_ =	sdelay $0x3  }
0x96: {  	_ =	strace s3  }
0x97: {  	_ =	strace $0x8FFFFFFF  }
0x98: {  	s19 =	sld [smem:$0x3FDB];
	_ =	sdelay $0x1  }
0x99: {  	s4 =	simm.s32 $_scs_section_size  }
0x9a: {  	s5 =	simm.s32 $_size__tile_overlayer_lowered;
	s6 =	simm.s32 $_tile_overlayer_lowered  }
0x9b: {  	s22 =	simm.s32 $0x1BFF;
	s21 =	sshll.u32 s6, $0x1;
	s3 =	sadd.s32 s4, s19  }
0x9c: {  	s7 =	simm.s32 $0x0;
	s20 =	sshll.u32 s5, $0x1;
	s5 =	sadd.s32 s21, s3  }
0x9d: {  	[timem:s7], [sflag:s22] =	dma.local [hbm:s5], s20  }
0x9e: {  	_ =	swait.ge [sflag:s22], s20  }
0x9f: {  	s4 =	ssub.s32 $0x0, s20;
	[sflag:s22] =	ssyncset.done $0x0  }
0xa0: {  	[sflag:s22] =	ssyncadd.s32 s4;
	_ =	sdelay $0x1  }
0xa1: {  	s23 =	simm.s32 $0x1B8B  }
0xa2: {  	_ =	swait.ge [sflag:s23], $0x1  }
0xa3: {  	[sflag:s23] =	ssyncset.done $0x0  }
0xa4: {  	s25 =	simm.s32 $0x1B8E;
	s24 =	sld [smem:$0x3FFE];
	[sflag:s23] =	ssyncadd.s32 $0xFFFFFFFF  }
0xa5: {  	s26 =	simm.s32 $execute0_lowered;
	[smem:$0x3FD2] =	sst s25  }
0xa6: {  	s5 =	sshll.u32 s26, $0x1;
	_ =	strace $0x8000004C;
	[dreg:$0x1] =	wrdreg $0xFFFFFFFF  }
0xa7: {  	s28 =	simm.s32 $_size_execute0_lowered;
	s3 =	sadd.s32 s3, s5;
	[dreg:$0x0] =	wrdreg $0x0  }
0xa8: {  	s5 =	sshll.u32 s28, $0x1;
	[dreg:$0x2] =	wrdreg s3  }
0xa9: {  	[dreg:$0x3] =	wrdreg s5  }
0xaa: {  	[dreg:$0x4] =	wrdreg $0xC0  }
0xab: {  	_ =	task [dreg:s7], $0x5FFFF  }
0xac: {  	[dreg:$0x1] =	wrdreg $0xFFFFFFFF  }
0xad: {  	[dreg:$0x0] =	wrdreg $0x60  }
0xae: {  	[dreg:$0x2] =	wrdreg s24  }
0xaf: {  	[dreg:$0x3] =	wrdreg s2  }
0xb0: {  	[dreg:$0x4] =	wrdreg $0x90000  }
0xb1: {  	[dreg:$0x5] =	wrdreg $0x9  }
0xb2: {  	_ =	task.clear_ibuf [dreg:s7], $0x6FFFF;
	_ =	strace $0x9000004C  }
0xb3: {  	s29 =	simm.s32 $0x9;
	_ =	strace $0x8000004E  }
0xb4: {  	_ =	swait.ge [sflag:s29], $0x1  }
0xb5: {  	[sflag:s29] =	ssyncadd.s32 $0xFFFFFFFF  }
0xb6: {  	_ =	strace $0x9000004E  }
0xb7: {  	_ =	sfence  }
0xb8: {  	s30 =	sld [smem:$0x0];
	_ =	sdelay $0x2  }
0xb9: {  	s31 =	sshll.u32 s1, $0xD;
	s1 =	sshrl.u32 s1, $0x2  }
0xba: {  	s3 =	sand.u32 $0x4000, s31;
	s1 =	sadd.s32 s1, s30  }
0xbb: {  	s0 =	sor.u32 s3, s0;
	s1 =	sshll.u32 s1, $0x11  }
0xbc: {  	s0 =	sor.u32 s1, s0  }
0xbd: {  	s0 =	sadd.s32 $0x8F2B, s0  }
0xbe: {  	[sflag:s0] =	ssyncadd.remote.s32 $0x1  }
0xbf: {  	_ =	sfence.sel $0xFFFF  }
0xc0: {  	[dreg:$0x0] =	wrdreg $0xFFFFFFFF;
	(pc) =	sbr.abs _section_cstart, $3  }
0xc1: {  	[dreg:$0x1] =	wrdreg $0xFFFFFFFF  }
0xc2: {  	_ =	task.clear_ibuf [dreg:s7], $0x2FFFF;
	_ =	strace $0x9FFFFFFF  }
0xc3: {  	(tm) =	ssettm $0x7FFFFFFF  }
tec
execute0_lowered:
.L_overlay_start_1:
0x0: {  	(tag) =	ssettag $0x1  }
0x1: {  	s5 =	rddreg [dreg:$0x0]  }
0x2: {  	s7 =	rddreg [dreg:$0x1];
	s1 =	srdreg.scid  }
0x3: {  	s0 =	stileid.u32;
	s2 =	rddreg [dreg:$0x2]  }
0x4: {  	s3 =	simm.s32 $0x0;
	s14 =	simm.s32 $0x2800;
	s15 =	simm.s32 $0x5000  }
0x5: {  	s16 =	simm.s32 $0x80;
	s17 =	simm.s32 $0x1;
	s6 =	sand.u32 $0x1, s1  }
0x6: {  	s4 =	sshll.u32 s0, $0x1;
	s1 =	rddreg [dreg:$0x3];
	s9 =	smul.u32 $0x50000, s0  }
0x7: {  	[smem:$0x7FF] =	sst s3;
	s19 =	smul.u32 $0x2800, s0;
	s20 =	sshll.u32 s0, $0x6  }
0x8: {  	s4 =	sor.u32 s6, s4;
	_ =	strace $0x8000004D;
	s10 =	smul.u32 $0x28000, s6  }
0x9: {  	s6 =	ssub.s32 $0x2, s6;
	s8 =	smul.u32 $0x500, s4;
	s4 =	sadd.s32 $0x15E00, s5  }
0xa: {  	s12 =	sshrl.u32 s6, $0x1;
	s9 =	sshrl.u32 s9, $0x2;
	s13 =	sadd.s32 s10, s5  }
0xb: {  	s12 =	ssub.s32 s6, s12;
	s11 =	sadd.s32 s8, s5;
	s5 =	sadd.s32 s9, s2  }
0xc: {  	s7 =	sadd.s32 s7, s8;
	s18 =	sadd.s32 $0x3DE00, s13;
	s12 =	smax.u32 s12, $0x1  }
0xd: {  	s13 =	simm.s32 $0x2;
	s6 =	sadd.s32 $0xBE00, s11;
	s8 =	sadd.s32 $0x4000, s5  }
0xe: {  	s9 =	sadd.s32 $0x8000, s5;
	s10 =	sadd.s32 $0xC000, s5;
	s11 =	sadd.s32 $0x10000, s5  }
0xf: {  	v0 =	vimm.f32 $0.0e+00;
	s18 =	sadd.s32 s19, s18;
	s19 =	sor.u32 $0x1C02, s20;
	s20 =	sshrl.u32 s5, $0x3  }
.LBB2_1:
0x10: {  	s21 =	simm.s32 $0x0;
	s22 =	simm.s32 $0x200  }
.LBB2_2:
0x11: {  	p0 =	sne.s32 s22, $0xFE00;
	[tilespmem:s21+$0x5070] =	vst v0  }
0x12: {  	[tilespmem:s21+$0x5000] =	vst v0  }
0x13: {  	[tilespmem:s21+$0x5010] =	vst v0  }
.Ltmp0:
0x14: {  	[tilespmem:s21+$0x5020] =	vst v0;
	(pc) =	sbr.rel @p0 .LBB2_2-.Ltmp0, $4  }
0x15: {  	[tilespmem:s21+$0x5030] =	vst v0  }
0x16: {  	[tilespmem:s21+$0x5040] =	vst v0  }
0x17: {  	[tilespmem:s21+$0x5050] =	vst v0  }
0x18: {  	[tilespmem:s21+$0x5060] =	vst v0;
	s21 =	sshra.s32 s22, $0x2;
	s22 =	sadd.s32 $0x200, s22  }
0x19: {  	[tilespmem:s21+$0x5070] =	vst v0  }
0x1a: {  	[tilespmem:s21+$0x5000] =	vst v0  }
0x1b: {  	[tilespmem:s21+$0x5010] =	vst v0  }
0x1c: {  	[tilespmem:s21+$0x5020] =	vst v0  }
0x1d: {  	[tilespmem:s21+$0x5030] =	vst v0  }
0x1e: {  	[tilespmem:s21+$0x5040] =	vst v0  }
0x1f: {  	[tilespmem:s21+$0x5050] =	vst v0  }
0x20: {  	[tilespmem:s21+$0x5060] =	vst v0;
	s29 =	simm.s32 $0x0  }
0x21: {  	[tilespmem:s29], [sflag:$0x2] =	stream.linear.gather [hbm4b:s6+s29], $0x2780, $0x38;
	[tilespmem:$0x1D000] =	vst v63  }
0x22: {  	_ =	swait.ge [sflag:s13], $0x2780  }
0x23: {  	[sflag:s13] =	ssyncset.done $0x0  }
0x24: {  	[sflag:s13] =	ssyncadd.s32 $0xFFFFD880  }
0x25: {  	[tilespmem:s14], [sflag:$0x2] =	stream.linear.gather [hbm4b:s7+s29], $0x2780, $0x38;
	[tilespmem:$0x1D000] =	vst v63  }
0x26: {  	_ =	swait.ge [sflag:s13], $0x2780  }
0x27: {  	[sflag:s13] =	ssyncset.done $0x0  }
0x28: {  	[sflag:s13] =	ssyncadd.s32 $0xFFFFD880  }
0x29: {  	[spmem:s5] =	stream.linear.scatter [tilespmem:s15], [sflag:$0x2], $0x4000, $0x38;
	[tilespmem:$0x1D000] =	vst v63  }
0x2a: {  	_ =	swait.ge [sflag:s13], $0x4000  }
0x2b: {  	[sflag:s13] =	ssyncset.done $0x0  }
0x2c: {  	[sflag:s13] =	ssyncadd.s32 $0xFFFFC000  }
0x2d: {  	[spmem:s8] =	stream.linear.scatter [tilespmem:s15], [sflag:$0x2], $0x4000, $0x38;
	[tilespmem:$0x1D000] =	vst v63  }
0x2e: {  	_ =	swait.ge [sflag:s13], $0x4000  }
0x2f: {  	[sflag:s13] =	ssyncset.done $0x0  }
0x30: {  	[sflag:s13] =	ssyncadd.s32 $0xFFFFC000  }
0x31: {  	[spmem:s9] =	stream.linear.scatter [tilespmem:s15], [sflag:$0x2], $0x4000, $0x38;
	[tilespmem:$0x1D000] =	vst v63  }
0x32: {  	_ =	swait.ge [sflag:s13], $0x4000  }
0x33: {  	[sflag:s13] =	ssyncset.done $0x0  }
0x34: {  	[sflag:s13] =	ssyncadd.s32 $0xFFFFC000  }
0x35: {  	[spmem:s10] =	stream.linear.scatter [tilespmem:s15], [sflag:$0x2], $0x4000, $0x38;
	[tilespmem:$0x1D000] =	vst v63  }
0x36: {  	_ =	swait.ge [sflag:s13], $0x4000  }
0x37: {  	[sflag:s13] =	ssyncset.done $0x0  }
0x38: {  	[sflag:s13] =	ssyncadd.s32 $0xFFFFC000  }
0x39: {  	[spmem:s11] =	stream.linear.scatter [tilespmem:s15], [sflag:$0x2], $0x4000, $0x38;
	[tilespmem:$0x1D000] =	vst v63  }
0x3a: {  	_ =	swait.ge [sflag:s13], $0x4000  }
0x3b: {  	[sflag:s13] =	ssyncset.done $0x0  }
0x3c: {  	[sflag:s13] =	ssyncadd.s32 $0xFFFFC000  }
0x3d: {  	s30 =	simm.s32 $0x0;
	[bflag:$0x0] =	sbarrier.arrive $0xFFFF  }
0x3e: {  	[tilespmem:s15], [sflag:$0x1] =	stream.indirect.gather [hbm4b:s4+s16], $0x80, s30, s16, $0xb8;
	[tilespmem:$0x1D000] =	vst v63  }
0x3f: {  	_ =	swait.ge [sflag:s17], $0x4000  }
0x40: {  	[sflag:s17] =	ssyncset.done $0x0  }
0x41: {  	s31 =	simm.s32 $0x2800;
	[sflag:s17] =	ssyncadd.s32 $0xFFFFC000  }
0x42: {  	[spmem:s2] =	stream.indirect.scatter.add.f32 [tilespmem:s15], [sflag:$0x2], $0x80, s31, s16, $0xb8;
	[tilespmem:$0x1D000] =	vst v63  }
0x43: {  	_ =	swait.ge [sflag:s13], $0x4000  }
0x44: {  	s21 =	simm.s32 $0x200;
	s22 =	simm.s32 $0x400;
	[sflag:s13] =	ssyncset.done $0x0  }
.LBB2_4:
0x45: {  	s23 =	sshra.s32 s21, $0x2  }
0x46: {  	[sflag:s13] =	ssyncadd.s32 $0xFFFFC000;
	s21 =	smov.u32 s22;
	s24 =	sadd.s32 $0x200, s22  }
0x47: {  	[tilespmem:s15], [sflag:$0x1] =	stream.indirect.gather [hbm4b:s4+s16], $0x80, s23, s16, $0xb8;
	[tilespmem:$0x1D000] =	vst v63  }
0x48: {  	p0 =	sne.s32 s22, $0x9C00;
	_ =	swait.ge [sflag:s17], $0x4000  }
.Ltmp1:
0x49: {  	[sflag:s17] =	ssyncset.done $0x0;
	(pc) =	sbr.rel @p0 .LBB2_4-.Ltmp1, $4  }
0x4a: {  	s22 =	sadd.s32 $0x2800, s23;
	[sflag:s17] =	ssyncadd.s32 $0xFFFFC000  }
0x4b: {  	[spmem:s2] =	stream.indirect.scatter.add.f32 [tilespmem:s15], [sflag:$0x2], $0x80, s22, s16, $0xb8;
	[tilespmem:$0x1D000] =	vst v63  }
0x4c: {  	_ =	swait.ge [sflag:s13], $0x4000  }
0x4d: {  	s22 =	smov.u32 s24;
	[sflag:s13] =	ssyncset.done $0x0  }
0x4e: {  	s21 =	sshra.s32 s21, $0x2;
	[sflag:s13] =	ssyncadd.s32 $0xFFFFC000  }
0x4f: {  	[tilespmem:s15], [sflag:$0x1] =	stream.indirect.gather [hbm4b:s4+s16], $0x80, s21, s16, $0xb8;
	[tilespmem:$0x1D000] =	vst v63  }
0x50: {  	_ =	swait.ge [sflag:s17], $0x4000  }
0x51: {  	[sflag:s17] =	ssyncset.done $0x0  }
0x52: {  	s21 =	sadd.s32 $0x2800, s21;
	[sflag:s17] =	ssyncadd.s32 $0xFFFFC000  }
0x53: {  	[spmem:s2] =	stream.indirect.scatter.add.f32 [tilespmem:s15], [sflag:$0x2], $0x80, s21, s16, $0xb8;
	[tilespmem:$0x1D000] =	vst v63  }
0x54: {  	_ =	swait.ge [sflag:s13], $0x4000  }
0x55: {  	s3 =	sadd.s32 $0x1, s3;
	[sflag:s13] =	ssyncset.done $0x0  }
0x56: {  	p0 =	sne.s32 s3, s12;
	[sflag:s13] =	ssyncadd.s32 $0xFFFFC000  }
.Ltmp2:
0x57: {  	[bflag:$0x0] =	sbarrier.arrive $0xFFFF;
	(pc) =	sbr.rel @p0 .LBB2_1-.Ltmp2, $4  }
0x58: {  	[hbm:s18], [sflag:s19] =	dma.local [spmem:s20], $0x2800  }
0x59: {  	_ =	swait.ge [sflag:s13], $0x2800  }
0x5a: {  	[sflag:s13] =	ssyncset.done $0x0  }
0x5b: {  	[sflag:s13] =	ssyncadd.s32 $0xFFFFD800  }
0x5c: {  	_ =	sfence.sel $0x180000  }
0x5d: {  	[bflag:$0x0] =	sbarrier.arrive $0xFFFF  }
0x5e: {  	p0 =	sne.s32 s0, $0x0;
	_ =	strace $0x9000004D  }
0x5f: {  	s0 =	sadd.s32 @!p0 $0x100000, s1;
	[bflag:$0x2] =	sbarrier.arrive $0xFFFF  }
0x60: {  	[sflag:s0] =	ssyncadd.tile.s32 @!p0 $0x1;
	_ =	shalt  }
.Lfunc_end2:
_tile_overlayer_lowered:
.L_overlay_start_2:
0x61: {  	(tag) =	ssettag $0x2  }
0x62: {  	s0 =	rddreg [dreg:$0x0];
	s2 =	stileid.u32  }
0x63: {  	s1 =	rddreg [dreg:$0x1];
	p0 =	sne.s32 s2, $0x0  }
0x64: {  	s3 =	rddreg [dreg:$0x2];
	[bflag:$0x3] =	sbarrier.arrive $0xFFFF;
	s2 =	simm.s32 @!p0 $0x1C02  }
0x65: {  	[timem:s3], [sflag:s2] =	dma.local @!p0 [hbm:s0], s1  }
0x66: {  	s0 =	simm.s32 @!p0 $0x2  }
0x67: {  	_ =	swait.ge @!p0 [sflag:s0], s1  }
0x68: {  	s1 =	ssub.s32 @!p0 $0x0, s1;
	[sflag:s0] =	ssyncset.done @!p0 $0x0  }
0x69: {  	[sflag:s0] =	ssyncadd.s32 @!p0 s1  }
0x6a: {  	[bflag:$0x3] =	sbarrier.arrive $0xFFFF  }
0x6b: {  	_ =	shalt  }

// kernel: kernel.8.cloned.1.call-start
scs
__scs_entry_jumppad:
0x0: {  	(pc) =	sbr.rel $0x88, $3  }
0x1: {  	(tag) =	ssettag $0x0;
	lr =	simm.s32 $0x1  }
0x2: {  	[smem:$0x3F9B] =	sst lr;
	_ =	strace $0xD0000000  }
0x3: {  	_ = 	snop  }
0x4: {  	_ = 	snop  }
0x5: {  	_ = 	snop  }
0x6: {  	_ = 	snop  }
0x7: {  	_ = 	snop  }
__scs_overlays_trampoline_lowered:
0x8: {  	[smem:$0x3FAA] =	sst s0  }
0x9: {  	[smem:$0x3FAB] =	sst s1  }
0xa: {  	[smem:$0x3FAC] =	sst s2  }
0xb: {  	[smem:$0x3FAD] =	sst s3  }
0xc: {  	[smem:$0x3FAE] =	sst s4  }
0xd: {  	[smem:$0x3FAF] =	sst s5  }
0xe: {  	[smem:$0x3FB0] =	sst s6  }
0xf: {  	[smem:$0x3FB1] =	sst s7  }
0x10: {  	[smem:$0x3FB2] =	sst s8  }
0x11: {  	[smem:$0x3FB3] =	sst s9;
	s0 =	simm.s32 @!p0 $0x0  }
0x12: {  	s1 =	sld [smem:$0x3F99];
	s0 =	simm.s32 @p0 $0x1  }
0x13: {  	[smem:$0x3FB4] =	sst s0;
	s0 =	simm.s32 @!p1 $0x0  }
0x14: {  	s2 =	sld [smem:$0x3F98];
	s0 =	simm.s32 @p1 $0x1  }
0x15: {  	[smem:$0x3FB5] =	sst s0;
	s0 =	simm.s32 @!p2 $0x0  }
0x16: {  	s3 =	sld [smem:$0x3FDB];
	s0 =	simm.s32 @p2 $0x1  }
0x17: {  	s4 =	simm.s32 $0x1BF5;
	[smem:$0x3FB7] =	sst s0  }
0x18: {  	s0 =	sld [smem:$0x3F9A];
	_ =	swait.ge [sflag:s4], $0x0  }
0x19: {  	s7 =	sld [smem:$0x3F9B]  }
0x1a: {  	s8 =	sadd.s32 $0xFFFFE003, lr  }
0x1b: {  	s9 =	sadd.s32 $0xFFFFFEF7, lr;
	s5 =	simm.s32 $0xFFFFFFFF;
	p2 =	slt.u32 s8, $0xFFFFF086  }
0x1c: {  	p1 =	slt.u32 s9, $0xF7A;
	s5 =	simm.s32 @!p2 $0x0  }
0x1d: {  	s5 =	simm.s32 @p1 $0x1;
	p0 =	seq.s32 s7, s2  }
0x1e: {  	s7 =	smul.u32 @!p0 $0xF7A, s2;
	p2 =	seq.s32 @!p0 s5, $0x0  }
0x1f: {  	s9 =	smul.u32 $0xF7A, s1;
	s8 =	simm.s32 @!p0 $0x1BF5;
	p2 =	por !p2, p0  }
0x20: {  	[sflag:s8] =	ssyncset.s32 @!p0 $0xFFFFF086;
	s6 =	sadd.s32 @!p0 s3, s7;
	s7 =	simm.s32 @!p0 $0x108  }
0x21: {  	s3 =	sadd.s32 s3, s9;
	s6 =	sadd.s32 @!p0 $0x88, s6;
	s7 =	simm.s32 @p2 $0x1082  }
0x22: {  	[simem:s7], [sflag:s8] =	dma.local @!p0 [hbm:s6], $0xF7A  }
0x23: {  	s9 =	sor.u32 $0xD0000000, s2;
	s6 =	simm.s32 $0x108;
	_ =	swait.ge @!p0 [sflag:s8], $0x0  }
0x24: {  	s3 =	sadd.s32 $0x88, s3;
	s6 =	simm.s32 @!p1 $0x1082;
	[sflag:s4] =	ssyncset.s32 $0xFFFFF086  }
0x25: {  	[simem:s6], [sflag:s4] =	dma.local [hbm:s3], $0xF7A  }
0x26: {  	[smem:$0x3F9B] =	sst s1;
	(tag) =	ssettag s2;
	_ =	strace s9  }
0x27: {  	s1 =	sld [smem:$0x3FAB]  }
0x28: {  	s2 =	sld [smem:$0x3FAC]  }
0x29: {  	s4 =	sld [smem:$0x3FAE]  }
0x2a: {  	p0 =	seq.s32 s5, $0x0;
	s5 =	sld [smem:$0x3FAF]  }
0x2b: {  	s6 =	sld [smem:$0x3FB0]  }
0x2c: {  	s7 =	sld [smem:$0x3FB1]  }
0x2d: {  	s3 =	simm.s32 $0x108;
	s8 =	sld [smem:$0x3FB2]  }
0x2e: {  	s3 =	simm.s32 @!p0 $0x1082;
	s9 =	sld [smem:$0x3FB3]  }
0x2f: {  	lr =	sadd.s32 s0, s3;
	s0 =	sld [smem:$0x3FAA]  }
0x30: {  	s3 =	sld [smem:$0x3FAD]  }
0x31: {  	[smem:$0x3FB6] =	sst s10  }
0x32: {  	s10 =	sld [smem:$0x3FB4];
	_ =	sdelay $0x3  }
0x33: {  	p0 =	seq.s32 s10, $0x1;
	s10 =	sld [smem:$0x3FB6];
	_ =	sdelay $0x3  }
0x34: {  	[smem:$0x3FB6] =	sst s10  }
0x35: {  	s10 =	sld [smem:$0x3FB5];
	_ =	sdelay $0x3  }
0x36: {  	p1 =	seq.s32 s10, $0x1;
	s10 =	sld [smem:$0x3FB6];
	_ =	sdelay $0x3  }
0x37: {  	[smem:$0x3FB6] =	sst s10  }
0x38: {  	s10 =	sld [smem:$0x3FB7]  }
0x39: {  	_ = 	snop;
	(pc) =	sbr.ind lr, $3  }
0x3a: {  	_ = 	snop  }
0x3b: {  	_ = 	snop  }
0x3c: {  	p2 =	seq.s32 s10, $0x1;
	s10 =	sld [smem:$0x3FB6]  }
0x3d: {  	_ =	shalt  }
0x3e: {  	_ =	shalt  }
0x3f: {  	_ =	shalt  }
0x40: {  	_ =	shalt  }
0x41: {  	_ =	shalt  }
0x42: {  	_ =	shalt  }
0x43: {  	_ =	shalt  }
0x44: {  	_ =	shalt  }
0x45: {  	_ =	shalt  }
0x46: {  	_ =	shalt  }
0x47: {  	_ =	shalt  }
0x48: {  	_ =	shalt  }
0x49: {  	_ =	shalt  }
0x4a: {  	_ =	shalt  }
0x4b: {  	_ =	shalt  }
0x4c: {  	_ =	shalt  }
0x4d: {  	_ =	shalt  }
0x4e: {  	_ =	shalt  }
0x4f: {  	_ =	shalt  }
0x50: {  	_ =	shalt  }
0x51: {  	_ =	shalt  }
0x52: {  	_ =	shalt  }
0x53: {  	_ =	shalt  }
0x54: {  	_ =	shalt  }
0x55: {  	_ =	shalt  }
0x56: {  	_ =	shalt  }
0x57: {  	_ =	shalt  }
0x58: {  	_ =	shalt  }
0x59: {  	_ =	shalt  }
0x5a: {  	_ =	shalt  }
0x5b: {  	_ =	shalt  }
0x5c: {  	_ =	shalt  }
0x5d: {  	_ =	shalt  }
0x5e: {  	_ =	shalt  }
0x5f: {  	_ =	shalt  }
0x60: {  	_ =	shalt  }
0x61: {  	_ =	shalt  }
0x62: {  	_ =	shalt  }
0x63: {  	_ =	shalt  }
0x64: {  	_ =	shalt  }
0x65: {  	_ =	shalt  }
0x66: {  	_ =	shalt  }
0x67: {  	_ =	shalt  }
0x68: {  	_ =	shalt  }
0x69: {  	_ =	shalt  }
0x6a: {  	_ =	shalt  }
0x6b: {  	_ =	shalt  }
0x6c: {  	_ =	shalt  }
0x6d: {  	_ =	shalt  }
0x6e: {  	_ =	shalt  }
0x6f: {  	_ =	shalt  }
0x70: {  	_ =	shalt  }
0x71: {  	_ =	shalt  }
0x72: {  	_ =	shalt  }
0x73: {  	_ =	shalt  }
0x74: {  	_ =	shalt  }
0x75: {  	_ =	shalt  }
0x76: {  	_ =	shalt  }
0x77: {  	_ =	shalt  }
0x78: {  	_ =	shalt  }
0x79: {  	_ =	shalt  }
0x7a: {  	_ =	shalt  }
0x7b: {  	_ =	shalt  }
0x7c: {  	_ =	shalt  }
0x7d: {  	_ =	shalt  }
0x7e: {  	_ =	shalt  }
0x7f: {  	_ =	shalt  }
0x80: {  	_ =	shalt  }
0x81: {  	_ =	shalt  }
0x82: {  	_ =	shalt  }
0x83: {  	_ =	shalt  }
0x84: {  	_ =	shalt  }
0x85: {  	_ =	shalt  }
0x86: {  	_ =	shalt  }
0x87: {  	_ =	shalt  }
.Lfunc_end0:
.L_simem_size_0:
called_computation_lowered:
.L_overlay_start_0:
0x88: {  	s2 =	sld [smem:$0x3FD9]  }
0x89: {  	s3 =	sld [smem:$0x3FFE];
	_ =	sdelay $0x1  }
0x8a: {  	s1 =	srdreg.scid  }
0x8b: {  	s0 =	sand.u32 $0x1, s1  }
0x8c: {  	s17 =	sshll.u32 s0, $0xA;
	s2 =	sadd.s32 s3, s2  }
0x8d: {  	s2 =	sadd.s32 s2, s17  }
0x8e: {  	[smem:$0x3FC2] =	sst s2  }
0x8f: {  	_ = 	snop  }
0x90: {  	s2 =	sld [smem:$0x3FD0];
	(tm) =	ssettm $0x1  }
0x91: {  	s18 =	sld [smem:$0x3FFB];
	_ =	sdelay $0x3  }
0x92: {  	_ =	strace s18  }
0x93: {  	s3 =	sld [smem:$0x3FFC];
	_ =	sdelay $0x3  }
0x94: {  	_ =	strace s3  }
0x95: {  	s3 =	sld [smem:$0x3FFD];
	_ =	sdelay $0x3  }
0x96: {  	_ =	strace s3  }
0x97: {  	_ =	strace $0x8FFFFFFF  }
0x98: {  	s19 =	sld [smem:$0x3FDB];
	_ =	sdelay $0x1  }
0x99: {  	s4 =	simm.s32 $_scs_section_size  }
0x9a: {  	s5 =	simm.s32 $_size__tile_overlayer_lowered;
	s6 =	simm.s32 $_tile_overlayer_lowered  }
0x9b: {  	s22 =	simm.s32 $0x1BFF;
	s21 =	sshll.u32 s6, $0x1;
	s3 =	sadd.s32 s4, s19  }
0x9c: {  	s7 =	simm.s32 $0x0;
	s20 =	sshll.u32 s5, $0x1;
	s5 =	sadd.s32 s21, s3  }
0x9d: {  	[timem:s7], [sflag:s22] =	dma.local [hbm:s5], s20  }
0x9e: {  	_ =	swait.ge [sflag:s22], s20  }
0x9f: {  	s4 =	ssub.s32 $0x0, s20;
	[sflag:s22] =	ssyncset.done $0x0  }
0xa0: {  	[sflag:s22] =	ssyncadd.s32 s4;
	_ =	sdelay $0x1  }
0xa1: {  	s23 =	simm.s32 $0x1B8B  }
0xa2: {  	_ =	swait.ge [sflag:s23], $0x1  }
0xa3: {  	[sflag:s23] =	ssyncset.done $0x0  }
0xa4: {  	s25 =	simm.s32 $0x1B8E;
	s24 =	sld [smem:$0x3FFE];
	[sflag:s23] =	ssyncadd.s32 $0xFFFFFFFF  }
0xa5: {  	s26 =	simm.s32 $execute0_lowered;
	[smem:$0x3FD2] =	sst s25  }
0xa6: {  	s5 =	sshll.u32 s26, $0x1;
	_ =	strace $0x80000046;
	[dreg:$0x1] =	wrdreg $0xFFFFFFFF  }
0xa7: {  	s28 =	simm.s32 $_size_execute0_lowered;
	s3 =	sadd.s32 s3, s5;
	[dreg:$0x0] =	wrdreg $0x0  }
0xa8: {  	s5 =	sshll.u32 s28, $0x1;
	[dreg:$0x2] =	wrdreg s3  }
0xa9: {  	[dreg:$0x3] =	wrdreg s5  }
0xaa: {  	[dreg:$0x4] =	wrdreg $0xC0  }
0xab: {  	_ =	task [dreg:s7], $0x5FFFF  }
0xac: {  	[dreg:$0x1] =	wrdreg $0xFFFFFFFF  }
0xad: {  	[dreg:$0x0] =	wrdreg $0x60  }
0xae: {  	[dreg:$0x2] =	wrdreg s2  }
0xaf: {  	[dreg:$0x3] =	wrdreg s24  }
0xb0: {  	[dreg:$0x4] =	wrdreg $0x9  }
0xb1: {  	_ =	task.clear_ibuf [dreg:s7], $0x5FFFF;
	_ =	strace $0x90000046  }
0xb2: {  	s29 =	simm.s32 $0x9;
	_ =	strace $0x80000048  }
0xb3: {  	_ =	swait.ge [sflag:s29], $0x1  }
0xb4: {  	[sflag:s29] =	ssyncadd.s32 $0xFFFFFFFF  }
0xb5: {  	_ =	strace $0x90000048  }
0xb6: {  	_ =	sfence  }
0xb7: {  	s30 =	sld [smem:$0x0];
	_ =	sdelay $0x2  }
0xb8: {  	s31 =	sshll.u32 s1, $0xD;
	s1 =	sshrl.u32 s1, $0x2  }
0xb9: {  	s3 =	sand.u32 $0x4000, s31;
	s1 =	sadd.s32 s1, s30  }
0xba: {  	s0 =	sor.u32 s3, s0;
	s1 =	sshll.u32 s1, $0x11  }
0xbb: {  	s0 =	sor.u32 s1, s0  }
0xbc: {  	s0 =	sadd.s32 $0x8F2B, s0  }
0xbd: {  	[sflag:s0] =	ssyncadd.remote.s32 $0x1  }
0xbe: {  	_ =	sfence.sel $0xFFFF  }
0xbf: {  	[dreg:$0x0] =	wrdreg $0xFFFFFFFF;
	(pc) =	sbr.abs _section_cstart, $3  }
0xc0: {  	[dreg:$0x1] =	wrdreg $0xFFFFFFFF  }
0xc1: {  	_ =	task.clear_ibuf [dreg:s7], $0x2FFFF;
	_ =	strace $0x9FFFFFFF  }
0xc2: {  	(tm) =	ssettm $0x7FFFFFFF  }
0xc3: {  	_ =	shalt  }
tec
execute0_lowered:
.L_overlay_start_1:
0x0: {  	(tag) =	ssettag $0x1  }
0x1: {  	s3 =	rddreg [dreg:$0x0];
	s1 =	srdreg.scid  }
0x2: {  	s0 =	stileid.u32;
	s4 =	rddreg [dreg:$0x1];
	s9 =	simm.s32 $0x400  }
0x3: {  	s5 =	sand.u32 $0x1, s1;
	s2 =	sshll.u32 s0, $0x1;
	s1 =	rddreg [dreg:$0x2]  }
0x4: {  	s7 =	sshrl.u32 s0, $0x2;
	s6 =	sor.u32 s5, s2;
	s2 =	simm.s32 $0x0  }
0x5: {  	s7 =	smul.u32 $0x14000, s7;
	s5 =	ssub.s32 $0x2, s5;
	s8 =	sshll.u32 s6, $0x7  }
0x6: {  	[smem:$0x7FF] =	sst s2;
	s6 =	smul.u32 $0x500, s6;
	s8 =	sand.u32 $0x380, s8  }
0x7: {  	s31 =	sshrl.u32 s5, $0x1;
	_ =	strace $0x80000047;
	s7 =	sor.u32 s7, s8  }
0x8: {  	s5 =	ssub.s32 s5, s31;
	s3 =	sadd.s32 s3, s6;
	s7 =	sshrl.u32 s7, $0x3  }
0x9: {  	s5 =	smax.u32 s5, $0x1;
	s6 =	simm.s32 $0x1;
	s4 =	sadd.s32 s7, s4  }
0xa: {  	v0 =	vimm.f32 $0.0e+00;
	v1 =	vimm.f32 $1.000000000e+00;
	s8 =	simm.s32 $0x80;
	s7 =	simm.s32 $0x2800;
	s4 =	sadd.s32 $0x1E00, s4  }
.LBB2_1:
0xb: {  	s10 =	simm.s32 $0x40;
	s11 =	simm.s32 $0x0  }
.LBB2_2:
0xc: {  	p0 =	sne.s32 s10, $0x9FC0;
	[tilespmem:s11+$0x2800] =	vst v0;
	s11 =	smov.u32 s10;
	s10 =	sadd.s32 $0x40, s10  }
.Ltmp0:
0xd: {  	(pc) =	sbr.rel @p0 .LBB2_2-.Ltmp0, $2  }
0xe: {  	_ =	sdelay $0x2  }
0xf: {  	s11 =	sshra.s32 s11, $0x2  }
0x10: {  	[tilespmem:s11+$0x2800] =	vst v0;
	s10 =	simm.s32 $0x0  }
0x11: {  	[tilespmem:s10], [sflag:$0x1] =	stream.linear.gather [hbm4b:s3+s10], $0x2780, $0x38;
	[tilespmem:$0x5000] =	vst v63  }
0x12: {  	_ =	swait.ge [sflag:s6], $0x2780  }
0x13: {  	[sflag:s6] =	ssyncset.done $0x0  }
0x14: {  	[sflag:s6] =	ssyncadd.s32 $0xFFFFD880  }
.LBB2_4:
0x15: {  	s11 =	sshra.s32 s10, $0x2  }
0x16: {  	v2 =	vld [tilespmem:s11+$0x0];
	_ =	sdelay $0x7  }
0x17: {  	[tilespmem:v2+s7+$0x0] =	vst.idx.add.f32.msk $0xffff, v1  }
0x18: {  	v2 =	vld [tilespmem:s11+$0x10];
	_ =	sdelay $0x7  }
0x19: {  	[tilespmem:v2+s7+$0x0] =	vst.idx.add.f32.msk $0xffff, v1  }
0x1a: {  	v2 =	vld [tilespmem:s11+$0x20];
	_ =	sdelay $0x7  }
0x1b: {  	[tilespmem:v2+s7+$0x0] =	vst.idx.add.f32.msk $0xffff, v1  }
0x1c: {  	v2 =	vld [tilespmem:s11+$0x30];
	_ =	sdelay $0x7  }
0x1d: {  	[tilespmem:v2+s7+$0x0] =	vst.idx.add.f32.msk $0xffff, v1  }
0x1e: {  	v2 =	vld [tilespmem:s11+$0x40];
	_ =	sdelay $0x7  }
0x1f: {  	[tilespmem:v2+s7+$0x0] =	vst.idx.add.f32.msk $0xffff, v1  }
0x20: {  	v2 =	vld [tilespmem:s11+$0x50];
	_ =	sdelay $0x7  }
0x21: {  	[tilespmem:v2+s7+$0x0] =	vst.idx.add.f32.msk $0xffff, v1  }
0x22: {  	v2 =	vld [tilespmem:s11+$0x60];
	_ =	sdelay $0x7  }
0x23: {  	[tilespmem:v2+s7+$0x0] =	vst.idx.add.f32.msk $0xffff, v1  }
0x24: {  	v2 =	vld [tilespmem:s11+$0x70];
	_ =	sdelay $0x2  }
0x25: {  	p0 =	sne.s32 s10, $0x9C00  }
.Ltmp1:
0x26: {  	_ = 	snop;
	(pc) =	sbr.rel @p0 .LBB2_4-.Ltmp1, $2  }
0x27: {  	_ =	sdelay $0x2  }
0x28: {  	s10 =	sadd.s32 $0x200, s10;
	[tilespmem:v2+s7+$0x0] =	vst.idx.add.f32.msk $0xffff, v1  }
0x29: {  	s2 =	sadd.s32 $0x1, s2  }
0x2a: {  	p0 =	sne.s32 s2, s5  }
.Ltmp2:
0x2b: {  	_ = 	snop;
	(pc) =	sbr.rel @p0 .LBB2_1-.Ltmp2, $4  }
0x2c: {  	[hbm4b:s4+s8] =	stream.strided.scatter [tilespmem:s7], [sflag:$0x1], $0x2800, s9, s8, $0x38;
	[tilespmem:$0x5000] =	vst v63  }
0x2d: {  	_ =	swait.ge [sflag:s6], $0x2800  }
0x2e: {  	[sflag:s6] =	ssyncset.done $0x0  }
0x2f: {  	[sflag:s6] =	ssyncadd.s32 $0xFFFFD800  }
0x30: {  	_ =	sfence.sel $0x180000  }
0x31: {  	[bflag:$0x0] =	sbarrier.arrive $0xFFFF  }
0x32: {  	p0 =	sne.s32 s0, $0x0;
	_ =	strace $0x90000047  }
0x33: {  	s0 =	sadd.s32 @!p0 $0x100000, s1;
	[bflag:$0x2] =	sbarrier.arrive $0xFFFF  }
0x34: {  	[sflag:s0] =	ssyncadd.tile.s32 @!p0 $0x1;
	_ =	shalt  }
.Lfunc_end2:
_tile_overlayer_lowered:
.L_overlay_start_2:
0x35: {  	(tag) =	ssettag $0x2  }
0x36: {  	s0 =	rddreg [dreg:$0x0];
	s2 =	stileid.u32  }
0x37: {  	s1 =	rddreg [dreg:$0x1];
	p0 =	sne.s32 s2, $0x0  }
0x38: {  	s3 =	rddreg [dreg:$0x2];
	[bflag:$0x3] =	sbarrier.arrive $0xFFFF;
	s2 =	simm.s32 @!p0 $0x1C01  }
0x39: {  	[timem:s3], [sflag:s2] =	dma.local @!p0 [hbm:s0], s1  }
0x3a: {  	s0 =	simm.s32 @!p0 $0x1  }
0x3b: {  	_ =	swait.ge @!p0 [sflag:s0], s1  }
0x3c: {  	s1 =	ssub.s32 @!p0 $0x0, s1;
	[sflag:s0] =	ssyncset.done @!p0 $0x0  }
0x3d: {  	[sflag:s0] =	ssyncadd.s32 @!p0 s1  }
0x3e: {  	[bflag:$0x3] =	sbarrier.arrive $0xFFFF  }
0x3f: {  	_ =	shalt  }

</sc_bundles>
